<compile_context>
chip_gen: v7x
topology: tpu7x:2x2x1
jax: 0.10.2.dev20260603
libtpu: 0.0.44.dev20260713+nightly
codegen_flags: <defaults>
</compile_context>

<pallas_src>
import functools

import jax
import jax.numpy as jnp
from jax import lax
from jax.experimental import pallas as pl
from jax.experimental.pallas import tpu as pltpu
from jax.experimental.pallas import tpu_sc as plsc

L = 16


def _build_sc_gather(n_b: int, n_l: int, n_rows: int, d: int):
    info = plsc.get_sparse_core_info()
    nc, ns = info.num_cores, info.num_subcores
    nw = nc * ns

    bw = n_b // nw
    assert bw * nw == n_b
    lt_n = n_l // 8
    assert lt_n * 8 == n_l
    bc_w = 256
    bc_n = bw // bc_w
    assert bc_n * bc_w == bw and bc_n % 2 == 0
    pairs = 8 * (bc_w // L)

    mesh = plsc.VectorSubcoreMesh(core_axis_name="c", subcore_axis_name="s")

    @functools.partial(
        pl.kernel,
        mesh=mesh,
        compiler_params=pltpu.CompilerParams(needs_layout_passes=False),
        out_type=jax.ShapeDtypeStruct((d, n_l, n_b), jnp.float32),
        scratch_types=[
            pltpu.VMEM((n_rows * d,), jnp.float32),
            pltpu.VMEM((8, bc_w), jnp.int32),
            pltpu.VMEM((8, bc_w), jnp.int32),
            pltpu.VMEM((d, 8, bc_w), jnp.float32),
            pltpu.VMEM((d, 8, bc_w), jnp.float32),
            pltpu.SemaphoreType.DMA,
            pltpu.SemaphoreType.DMA,
            pltpu.SemaphoreType.DMA,
            pltpu.SemaphoreType.DMA,
        ],
    )
    def sc_gather(idx_hbm, tbl_hbm, out_hbm, tbl_v, idx_v0, idx_v1,
                  out_v0, out_v1, sin0, sin1, sout0, sout1):
        sin = (sin0, sin1)
        sout = (sout0, sout1)
        idx_v = (idx_v0, idx_v1)
        out_v = (out_v0, out_v1)
        wid = lax.axis_index("s") * nc + lax.axis_index("c")
        b0w = wid * bw
        pltpu.sync_copy(tbl_hbm, tbl_v)

        n_chunks = lt_n * bc_n

        def in_slice(ci):
            lt = ci // bc_n
            bc = ci % bc_n
            return idx_hbm.at[pl.ds(lt * 8, 8), pl.ds(b0w + bc * bc_w, bc_w)]

        def out_slice(ci):
            lt = ci // bc_n
            bc = ci % bc_n
            return out_hbm.at[:, pl.ds(lt * 8, 8), pl.ds(b0w + bc * bc_w, bc_w)]

        for b in range(2):
            pltpu.async_copy(in_slice(b), idx_v[b], sin[b])

        def pair_body(cj, _):
            for b in range(2):
                ci = cj * 2 + b
                pltpu.make_async_copy(in_slice(ci), idx_v[b], sin[b]).wait()

                @pl.when(ci >= 2)
                def _wait_out():
                    pltpu.make_async_copy(
                        out_v[b], out_slice(ci - 2), sout[b]
                    ).wait()

                @plsc.parallel_loop(0, pairs, 1, unroll=1)
                def group_body(p):
                    lr = p // (bc_w // L)
                    g = p % (bc_w // L)
                    idx16 = idx_v[b][lr, pl.ds(g * L, L)]
                    addr = idx16 * d
                    for f in range(d):
                        vals = plsc.load_gather(tbl_v, [addr + f])
                        out_v[b][f, lr, pl.ds(g * L, L)] = vals

                pltpu.async_copy(out_v[b], out_slice(ci), sout[b])

                @pl.when(ci + 2 < n_chunks)
                def _next_in():
                    pltpu.async_copy(in_slice(ci + 2), idx_v[b], sin[b])

            return 0

        lax.fori_loop(0, n_chunks // 2, pair_body, 0, unroll=False)

        for b in range(2):
            pltpu.make_async_copy(
                out_v[b], out_slice(n_chunks - 2 + b), sout[b]
            ).wait()

    return sc_gather


def kernel(indices, features):
    b, hl = indices.shape
    v, d = features.shape
    idx_t = jnp.transpose(indices.astype(jnp.int32))
    tbl_flat = features.reshape(-1)
    fn = _build_sc_gather(b, hl, v, d)
    out_t = fn(idx_t, tbl_flat)
    return jnp.transpose(out_t, (2, 1, 0))

# --- scband reference (transcript-rebuilt; emitter-appended) ---
"""Pipeline reference for scband-card-feature-table-39822936769142 (READ-ONLY COPY).

The authoritative reference and input builder live on the scoring server;
editing this copy changes nothing except your own understanding.
"""

import jax, jax.numpy as jnp
import numpy as np

NUM_CARDS = 1000
STATIC_FEATURE_DIM = 13  # 5 + 2 * NUM_FACTIONS(=4)
BATCH = 16384
HIST_LEN = 200


def setup_inputs(seed: int = 0) -> dict:
    key = jax.random.key(seed)
    k1, k2 = jax.random.split(key)
    indices = jax.random.randint(k1, (BATCH, HIST_LEN), 0, NUM_CARDS, dtype=jnp.int64 if jax.config.jax_enable_x64 else jnp.int32)
    # The torch module materializes a [num_cards, STATIC_FEATURE_DIM] float32 buffer
    # from a CardRegistry at construction time. We simulate it with values in [0, 1]
    # (the real buffer holds normalized costs/defense and one-hot flags, all in [0, 1]).
    features = jax.random.uniform(k2, (NUM_CARDS, STATIC_FEATURE_DIM), dtype=jnp.float32)
    return {"indices": indices, "features": features}


def reference(indices, features):
    # Static per-card feature lookup: features[indices] -> [B, L, STATIC_FEATURE_DIM]
    return jnp.take(features, indices, axis=0)

if __name__ == "__main__":
    import jax
    _d = setup_inputs()
    print(jax.jit(kernel)(*tuple(_d.values())))

</pallas_src>

<mosaic_0001>
#map = affine_map<(d0, d1) -> (0, 0)>
#map1 = affine_map<(d0, d1) -> (0)>
#map2 = affine_map<(d0, d1) -> (0, 0, 0)>
module attributes {stable_mosaic.version = 14 : i64} {
  func.func @sc_gather(%arg0: i32, %arg1: i32, %arg2: memref<200x16384xi32, #tpu.memory_space<hbm>>, %arg3: memref<13000xf32, #tpu.memory_space<hbm>>, %arg4: memref<13x200x16384xf32, #tpu.memory_space<hbm>>, %arg5: memref<13000xf32, #tpu.memory_space<vmem>>, %arg6: memref<8x256xi32, #tpu.memory_space<vmem>>, %arg7: memref<8x256xi32, #tpu.memory_space<vmem>>, %arg8: memref<13x8x256xf32, #tpu.memory_space<vmem>>, %arg9: memref<13x8x256xf32, #tpu.memory_space<vmem>>, %arg10: memref<!tpu.dma_semaphore, #tpu.memory_space<semaphore_mem>>, %arg11: memref<!tpu.dma_semaphore, #tpu.memory_space<semaphore_mem>>, %arg12: memref<!tpu.dma_semaphore, #tpu.memory_space<semaphore_mem>>, %arg13: memref<!tpu.dma_semaphore, #tpu.memory_space<semaphore_mem>>) attributes {dimension_semantics = [#tpu.dimension_semantics<core_parallel>, #tpu.dimension_semantics<subcore_parallel>], iteration_bounds = array<i64: 2, 16>, scalar_prefetch = 0 : i64, scratch_operands = 9 : i64, tpu.core_type = #tpu.core_type<sc_vector_subcore>, window_params = [{transform_indices = #map}, {transform_indices = #map1}, {transform_indices = #map2}]} {
    %mul3A = arith.constant 2 : i32
    %mul3A_0 = arith.muli %arg1, %mul3A : i32
    %add3A = arith.addi %mul3A_0, %arg0 : i32
    %mul3A_1 = arith.constant 512 : i32
    %mul3A_2 = arith.muli %add3A, %mul3A_1 : i32
    "tpu.region"() ({
      %run_scoped3A = tpu.sem_alloc : memref<!tpu.dma_semaphore, #tpu.memory_space<semaphore_mem>>
      tpu.enqueue_dma source(%arg3 : memref<13000xf32, #tpu.memory_space<hbm>>) target(%arg5 : memref<13000xf32, #tpu.memory_space<vmem>>) target_semaphore(%run_scoped3A : memref<!tpu.dma_semaphore, #tpu.memory_space<semaphore_mem>>)
      tpu.wait_dma2 semaphore(%run_scoped3A : memref<!tpu.dma_semaphore, #tpu.memory_space<semaphore_mem>>) src(%arg3 : memref<13000xf32, #tpu.memory_space<hbm>>) dst(%arg5 : memref<13000xf32, #tpu.memory_space<vmem>>)
      tpu.yield
    }) : () -> ()
    %add3A_3 = arith.constant 0 : i32
    %add3A_4 = arith.addi %mul3A_2, %add3A_3 : i32
    %dma_start3A = arith.constant 0 : i32
    %dma_start3A_5 = tpu.memref_slice %arg2[%dma_start3A, %add3A_4] : memref<200x16384xi32, #tpu.memory_space<hbm>> -> memref<8x256xi32, #tpu.memory_space<hbm>>
    %dma_start3A_6 = arith.constant 0 : i32
    %dma_start3A_7 = tpu.memref_slice %arg2[%dma_start3A_6, %add3A_4] : memref<200x16384xi32, #tpu.memory_space<hbm>> -> memref<8x256xi32, #tpu.memory_space<hbm>>
    tpu.enqueue_dma source(%dma_start3A_7 : memref<8x256xi32, #tpu.memory_space<hbm>>) target(%arg6 : memref<8x256xi32, #tpu.memory_space<vmem>>) target_semaphore(%arg10 : memref<!tpu.dma_semaphore, #tpu.memory_space<semaphore_mem>>)
    %add3A_8 = arith.constant 256 : i32
    %add3A_9 = arith.addi %mul3A_2, %add3A_8 : i32
    %dma_start3A_10 = arith.constant 0 : i32
    %dma_start3A_11 = tpu.memref_slice %arg2[%dma_start3A_10, %add3A_9] : memref<200x16384xi32, #tpu.memory_space<hbm>> -> memref<8x256xi32, #tpu.memory_space<hbm>>
    %dma_start3A_12 = arith.constant 0 : i32
    %dma_start3A_13 = tpu.memref_slice %arg2[%dma_start3A_12, %add3A_9] : memref<200x16384xi32, #tpu.memory_space<hbm>> -> memref<8x256xi32, #tpu.memory_space<hbm>>
    tpu.enqueue_dma source(%dma_start3A_13 : memref<8x256xi32, #tpu.memory_space<hbm>>) target(%arg7 : memref<8x256xi32, #tpu.memory_space<vmem>>) target_semaphore(%arg11 : memref<!tpu.dma_semaphore, #tpu.memory_space<semaphore_mem>>)
    %scan3A = arith.constant 0 : i32
    %scan3A_14 = arith.constant 0 : i32
    %scan3A_15 = arith.constant 25 : i32
    %scan3A_16 = arith.addi %scan3A_14, %scan3A_15 : i32
    %scan3A_17 = arith.constant 1 : i32
    %scan3A_18 = scf.for %scan3A_35 = %scan3A_14 to %scan3A_16 step %scan3A_17 iter_args(%scan3A_36 = %scan3A) -> (i32)  : i32 {
      %mul3A_37 = arith.constant 2 : i32
      %mul3A_38 = arith.muli %scan3A_35, %mul3A_37 : i32
      %add3A_39 = arith.constant 0 : i32
      %add3A_40 = arith.addi %mul3A_38, %add3A_39 : i32
      %jit3A = arith.constant 2 : i32
      %div3A = arith.divsi %add3A_40, %jit3A : i32
      %sign3A = arith.constant 0 : i32
      %sign3A_41 = arith.cmpi sgt, %add3A_40, %sign3A : i32
      %sign3A_42 = arith.extui %sign3A_41 : i1 to i32
      %sign3A_43 = arith.constant 0 : i32
      %sign3A_44 = arith.cmpi slt, %add3A_40, %sign3A_43 : i32
      %sign3A_45 = arith.extui %sign3A_44 : i1 to i32
      %sign3A_46 = arith.subi %sign3A_42, %sign3A_45 : i32
      %sign3A_47 = arith.constant 0 : i32
      %sign3A_48 = arith.cmpi sgt, %jit3A, %sign3A_47 : i32
      %sign3A_49 = arith.extui %sign3A_48 : i1 to i32
      %sign3A_50 = arith.constant 0 : i32
      %sign3A_51 = arith.cmpi slt, %jit3A, %sign3A_50 : i32
      %sign3A_52 = arith.extui %sign3A_51 : i1 to i32
      %sign3A_53 = arith.subi %sign3A_49, %sign3A_52 : i32
      %ne3A = arith.cmpi ne, %sign3A_46, %sign3A_53 : i32
      %rem3A = arith.remsi %add3A_40, %jit3A : i32
      %ne3A_54 = arith.constant 0 : i32
      %ne3A_55 = arith.cmpi ne, %rem3A, %ne3A_54 : i32
      %and3A = arith.andi %ne3A, %ne3A_55 : i1
      %sub3A = arith.constant 1 : i32
      %sub3A_56 = arith.subi %div3A, %sub3A : i32
      %select_n3A = arith.select %and3A, %sub3A_56, %div3A : i32
      %jit3A_57 = arith.constant 2 : i32
      %eq3A = arith.constant 0 : i32
      %eq3A_58 = arith.cmpi eq, %jit3A_57, %eq3A : i32
      %jit3A_59 = arith.constant 1 : i32
      %select_n3A_60 = arith.select %eq3A_58, %jit3A_59, %jit3A_57 : i32
      %rem3A_61 = arith.remsi %add3A_40, %select_n3A_60 : i32
      %ne3A_62 = arith.constant 0 : i32
      %ne3A_63 = arith.cmpi ne, %rem3A_61, %ne3A_62 : i32
      %lt3A = arith.constant 0 : i32
      %lt3A_64 = arith.cmpi slt, %rem3A_61, %lt3A : i32
      %lt3A_65 = arith.constant 0 : i32
      %lt3A_66 = arith.cmpi slt, %select_n3A_60, %lt3A_65 : i32
      %ne3A_67 = arith.xori %lt3A_64, %lt3A_66 : i1
      %and3A_68 = arith.andi %ne3A_67, %ne3A_63 : i1
      %add3A_69 = arith.addi %rem3A_61, %select_n3A_60 : i32
      %select_n3A_70 = arith.select %and3A_68, %add3A_69, %rem3A_61 : i32
      %mul3A_71 = arith.constant 8 : i32
      %mul3A_72 = arith.muli %select_n3A, %mul3A_71 : i32
      %mul3A_73 = arith.constant 256 : i32
      %mul3A_74 = arith.muli %select_n3A_70, %mul3A_73 : i32
      %add3A_75 = arith.addi %mul3A_2, %mul3A_74 : i32
      %dma_wait3A_76 = tpu.memref_slice %arg2[%mul3A_72, %add3A_75] : memref<200x16384xi32, #tpu.memory_space<hbm>> -> memref<8x256xi32, #tpu.memory_space<hbm>>
      %dma_wait3A_77 = tpu.memref_slice %arg2[%mul3A_72, %add3A_75] : memref<200x16384xi32, #tpu.memory_space<hbm>> -> memref<8x256xi32, #tpu.memory_space<hbm>>
      tpu.wait_dma2 semaphore(%arg10 : memref<!tpu.dma_semaphore, #tpu.memory_space<semaphore_mem>>) src(%dma_wait3A_77 : memref<8x256xi32, #tpu.memory_space<hbm>>) dst(%arg6 : memref<8x256xi32, #tpu.memory_space<vmem>>)
      %ge3A = arith.constant 2 : i32
      %ge3A_78 = arith.cmpi sge, %add3A_40, %ge3A : i32
      %convert_element_type3A = arith.extui %ge3A_78 : i1 to i32
      %cond3A = arith.constant 0 : i32
      %cond3A_79 = arith.cmpi ne, %convert_element_type3A, %cond3A : i32
      scf.if %cond3A_79 {
        %sub3A_254 = arith.constant 2 : i32
        %sub3A_255 = arith.subi %add3A_40, %sub3A_254 : i32
        %jit3A_256 = arith.constant 2 : i32
        %div3A_257 = arith.divsi %sub3A_255, %jit3A_256 : i32
        %sign3A_258 = arith.constant 0 : i32
        %sign3A_259 = arith.cmpi sgt, %sub3A_255, %sign3A_258 : i32
        %sign3A_260 = arith.extui %sign3A_259 : i1 to i32
        %sign3A_261 = arith.constant 0 : i32
        %sign3A_262 = arith.cmpi slt, %sub3A_255, %sign3A_261 : i32
        %sign3A_263 = arith.extui %sign3A_262 : i1 to i32
        %sign3A_264 = arith.subi %sign3A_260, %sign3A_263 : i32
        %sign3A_265 = arith.constant 0 : i32
        %sign3A_266 = arith.cmpi sgt, %jit3A_256, %sign3A_265 : i32
        %sign3A_267 = arith.extui %sign3A_266 : i1 to i32
        %sign3A_268 = arith.constant 0 : i32
        %sign3A_269 = arith.cmpi slt, %jit3A_256, %sign3A_268 : i32
        %sign3A_270 = arith.extui %sign3A_269 : i1 to i32
        %sign3A_271 = arith.subi %sign3A_267, %sign3A_270 : i32
        %ne3A_272 = arith.cmpi ne, %sign3A_264, %sign3A_271 : i32
        %rem3A_273 = arith.remsi %sub3A_255, %jit3A_256 : i32
        %ne3A_274 = arith.constant 0 : i32
        %ne3A_275 = arith.cmpi ne, %rem3A_273, %ne3A_274 : i32
        %and3A_276 = arith.andi %ne3A_272, %ne3A_275 : i1
        %sub3A_277 = arith.constant 1 : i32
        %sub3A_278 = arith.subi %div3A_257, %sub3A_277 : i32
        %select_n3A_279 = arith.select %and3A_276, %sub3A_278, %div3A_257 : i32
        %jit3A_280 = arith.constant 2 : i32
        %eq3A_281 = arith.constant 0 : i32
        %eq3A_282 = arith.cmpi eq, %jit3A_280, %eq3A_281 : i32
        %jit3A_283 = arith.constant 1 : i32
        %select_n3A_284 = arith.select %eq3A_282, %jit3A_283, %jit3A_280 : i32
        %rem3A_285 = arith.remsi %sub3A_255, %select_n3A_284 : i32
        %ne3A_286 = arith.constant 0 : i32
        %ne3A_287 = arith.cmpi ne, %rem3A_285, %ne3A_286 : i32
        %lt3A_288 = arith.constant 0 : i32
        %lt3A_289 = arith.cmpi slt, %rem3A_285, %lt3A_288 : i32
        %lt3A_290 = arith.constant 0 : i32
        %lt3A_291 = arith.cmpi slt, %select_n3A_284, %lt3A_290 : i32
        %ne3A_292 = arith.xori %lt3A_289, %lt3A_291 : i1
        %and3A_293 = arith.andi %ne3A_292, %ne3A_287 : i1
        %add3A_294 = arith.addi %rem3A_285, %select_n3A_284 : i32
        %select_n3A_295 = arith.select %and3A_293, %add3A_294, %rem3A_285 : i32
        %mul3A_296 = arith.constant 8 : i32
        %mul3A_297 = arith.muli %select_n3A_279, %mul3A_296 : i32
        %mul3A_298 = arith.constant 256 : i32
        %mul3A_299 = arith.muli %select_n3A_295, %mul3A_298 : i32
        %add3A_300 = arith.addi %mul3A_2, %mul3A_299 : i32
        %dma_wait3A_301 = arith.constant 0 : i32
        %dma_wait3A_302 = tpu.memref_slice %arg4[%dma_wait3A_301, %mul3A_297, %add3A_300] : memref<13x200x16384xf32, #tpu.memory_space<hbm>> -> memref<13x8x256xf32, #tpu.memory_space<hbm>>
        %dma_wait3A_303 = arith.constant 0 : i32
        %dma_wait3A_304 = tpu.memref_slice %arg4[%dma_wait3A_303, %mul3A_297, %add3A_300] : memref<13x200x16384xf32, #tpu.memory_space<hbm>> -> memref<13x8x256xf32, #tpu.memory_space<hbm>>
        tpu.wait_dma2 semaphore(%arg12 : memref<!tpu.dma_semaphore, #tpu.memory_space<semaphore_mem>>) src(%arg8 : memref<13x8x256xf32, #tpu.memory_space<vmem>>) dst(%dma_wait3A_304 : memref<13x8x256xf32, #tpu.memory_space<hbm>>)
      } else {
      }
      %parallel_loop3A = arith.constant 0 : i32
      %parallel_loop3A_80 = arith.constant 128 : i32
      %parallel_loop3A_81 = arith.constant 1 : i32
      scf.for %parallel_loop3A_254 = %parallel_loop3A to %parallel_loop3A_80 step %parallel_loop3A_81  : i32 {
        %parallel_loop3A_255 = arith.constant 16 : i32
        %parallel_loop3A_256 = arith.divsi %parallel_loop3A_254, %parallel_loop3A_255 : i32
        %parallel_loop3A_257 = arith.constant 0 : i32
        %parallel_loop3A_258 = arith.cmpi sgt, %parallel_loop3A_254, %parallel_loop3A_257 : i32
        %parallel_loop3A_259 = arith.extui %parallel_loop3A_258 : i1 to i32
        %parallel_loop3A_260 = arith.constant 0 : i32
        %parallel_loop3A_261 = arith.cmpi slt, %parallel_loop3A_254, %parallel_loop3A_260 : i32
        %parallel_loop3A_262 = arith.extui %parallel_loop3A_261 : i1 to i32
        %parallel_loop3A_263 = arith.subi %parallel_loop3A_259, %parallel_loop3A_262 : i32
        %parallel_loop3A_264 = arith.constant 0 : i32
        %parallel_loop3A_265 = arith.cmpi sgt, %parallel_loop3A_255, %parallel_loop3A_264 : i32
        %parallel_loop3A_266 = arith.extui %parallel_loop3A_265 : i1 to i32
        %parallel_loop3A_267 = arith.constant 0 : i32
        %parallel_loop3A_268 = arith.cmpi slt, %parallel_loop3A_255, %parallel_loop3A_267 : i32
        %parallel_loop3A_269 = arith.extui %parallel_loop3A_268 : i1 to i32
        %parallel_loop3A_270 = arith.subi %parallel_loop3A_266, %parallel_loop3A_269 : i32
        %parallel_loop3A_271 = arith.cmpi ne, %parallel_loop3A_263, %parallel_loop3A_270 : i32
        %parallel_loop3A_272 = arith.remsi %parallel_loop3A_254, %parallel_loop3A_255 : i32
        %parallel_loop3A_273 = arith.constant 0 : i32
        %parallel_loop3A_274 = arith.cmpi ne, %parallel_loop3A_272, %parallel_loop3A_273 : i32
        %parallel_loop3A_275 = arith.andi %parallel_loop3A_271, %parallel_loop3A_274 : i1
        %parallel_loop3A_276 = arith.constant 1 : i32
        %parallel_loop3A_277 = arith.subi %parallel_loop3A_256, %parallel_loop3A_276 : i32
        %parallel_loop3A_278 = arith.select %parallel_loop3A_275, %parallel_loop3A_277, %parallel_loop3A_256 : i32
        %parallel_loop3A_279 = arith.constant 16 : i32
        %parallel_loop3A_280 = arith.constant 0 : i32
        %parallel_loop3A_281 = arith.cmpi eq, %parallel_loop3A_279, %parallel_loop3A_280 : i32
        %parallel_loop3A_282 = arith.constant 1 : i32
        %parallel_loop3A_283 = arith.select %parallel_loop3A_281, %parallel_loop3A_282, %parallel_loop3A_279 : i32
        %parallel_loop3A_284 = arith.remsi %parallel_loop3A_254, %parallel_loop3A_283 : i32
        %parallel_loop3A_285 = arith.constant 0 : i32
        %parallel_loop3A_286 = arith.cmpi ne, %parallel_loop3A_284, %parallel_loop3A_285 : i32
        %parallel_loop3A_287 = arith.constant 0 : i32
        %parallel_loop3A_288 = arith.cmpi slt, %parallel_loop3A_284, %parallel_loop3A_287 : i32
        %parallel_loop3A_289 = arith.constant 0 : i32
        %parallel_loop3A_290 = arith.cmpi slt, %parallel_loop3A_283, %parallel_loop3A_289 : i32
        %parallel_loop3A_291 = arith.xori %parallel_loop3A_288, %parallel_loop3A_290 : i1
        %parallel_loop3A_292 = arith.andi %parallel_loop3A_291, %parallel_loop3A_286 : i1
        %parallel_loop3A_293 = arith.addi %parallel_loop3A_284, %parallel_loop3A_283 : i32
        %parallel_loop3A_294 = arith.select %parallel_loop3A_292, %parallel_loop3A_293, %parallel_loop3A_284 : i32
        %parallel_loop3A_295 = arith.constant 16 : i32
        %parallel_loop3A_296 = arith.muli %parallel_loop3A_294, %parallel_loop3A_295 : i32
        %parallel_loop3A_297 = arith.index_cast %parallel_loop3A_278 : i32 to index
        %parallel_loop3A_298 = arith.index_cast %parallel_loop3A_296 : i32 to index
        %parallel_loop3A_299 = tpu.vector_load %arg6[%parallel_loop3A_297, %parallel_loop3A_298] {strides = array<i32>} : memref<8x256xi32, #tpu.memory_space<vmem>>, vector<16xi32>,
        %parallel_loop3A_300 = arith.constant 13 : i32
        %parallel_loop3A_301 = vector.broadcast %parallel_loop3A_300 : i32 to vector<16xi32>
        %parallel_loop3A_302 = arith.muli %parallel_loop3A_299, %parallel_loop3A_301 : vector<16xi32>
        %parallel_loop3A_303 = arith.constant 0 : i32
        %parallel_loop3A_304 = vector.broadcast %parallel_loop3A_303 : i32 to vector<16xi32>
        %parallel_loop3A_305 = arith.addi %parallel_loop3A_302, %parallel_loop3A_304 : vector<16xi32>
        %parallel_loop3A_306 = tpu.vector_load_idx %arg5[%parallel_loop3A_305] : memref<13000xf32, #tpu.memory_space<vmem>>[vector<16xi32>], vector<16xf32>,
        %parallel_loop3A_307 = arith.constant 16 : i32
        %parallel_loop3A_308 = arith.muli %parallel_loop3A_294, %parallel_loop3A_307 : i32
        %parallel_loop3A_309 = arith.constant 0 : i32
        %parallel_loop3A_310 = arith.index_cast %parallel_loop3A_309 : i32 to index
        %parallel_loop3A_311 = arith.index_cast %parallel_loop3A_278 : i32 to index
        %parallel_loop3A_312 = arith.index_cast %parallel_loop3A_308 : i32 to index
        %parallel_loop3A_313 = tpu.vector_load %arg8[%parallel_loop3A_310, %parallel_loop3A_311, %parallel_loop3A_312] {strides = array<i32>} : memref<13x8x256xf32, #tpu.memory_space<vmem>>, vector<16xf32>,
        tpu.vector_store %arg8[%parallel_loop3A_310, %parallel_loop3A_311, %parallel_loop3A_312], %parallel_loop3A_306 {strides = array<i32>} : memref<13x8x256xf32, #tpu.memory_space<vmem>>, vector<16xf32>,
        %parallel_loop3A_314 = arith.constant 1 : i32
        %parallel_loop3A_315 = vector.broadcast %parallel_loop3A_314 : i32 to vector<16xi32>
        %parallel_loop3A_316 = arith.addi %parallel_loop3A_302, %parallel_loop3A_315 : vector<16xi32>
        %parallel_loop3A_317 = tpu.vector_load_idx %arg5[%parallel_loop3A_316] : memref<13000xf32, #tpu.memory_space<vmem>>[vector<16xi32>], vector<16xf32>,
        %parallel_loop3A_318 = arith.constant 16 : i32
        %parallel_loop3A_319 = arith.muli %parallel_loop3A_294, %parallel_loop3A_318 : i32
        %parallel_loop3A_320 = arith.constant 1 : i32
        %parallel_loop3A_321 = arith.index_cast %parallel_loop3A_320 : i32 to index
        %parallel_loop3A_322 = arith.index_cast %parallel_loop3A_278 : i32 to index
        %parallel_loop3A_323 = arith.index_cast %parallel_loop3A_319 : i32 to index
        %parallel_loop3A_324 = tpu.vector_load %arg8[%parallel_loop3A_321, %parallel_loop3A_322, %parallel_loop3A_323] {strides = array<i32>} : memref<13x8x256xf32, #tpu.memory_space<vmem>>, vector<16xf32>,
        tpu.vector_store %arg8[%parallel_loop3A_321, %parallel_loop3A_322, %parallel_loop3A_323], %parallel_loop3A_317 {strides = array<i32>} : memref<13x8x256xf32, #tpu.memory_space<vmem>>, vector<16xf32>,
        %parallel_loop3A_325 = arith.constant 2 : i32
        %parallel_loop3A_326 = vector.broadcast %parallel_loop3A_325 : i32 to vector<16xi32>
        %parallel_loop3A_327 = arith.addi %parallel_loop3A_302, %parallel_loop3A_326 : vector<16xi32>
        %parallel_loop3A_328 = tpu.vector_load_idx %arg5[%parallel_loop3A_327] : memref<13000xf32, #tpu.memory_space<vmem>>[vector<16xi32>], vector<16xf32>,
        %parallel_loop3A_329 = arith.constant 16 : i32
        %parallel_loop3A_330 = arith.muli %parallel_loop3A_294, %parallel_loop3A_329 : i32
        %parallel_loop3A_331 = arith.constant 2 : i32
        %parallel_loop3A_332 = arith.index_cast %parallel_loop3A_331 : i32 to index
        %parallel_loop3A_333 = arith.index_cast %parallel_loop3A_278 : i32 to index
        %parallel_loop3A_334 = arith.index_cast %parallel_loop3A_330 : i32 to index
        %parallel_loop3A_335 = tpu.vector_load %arg8[%parallel_loop3A_332, %parallel_loop3A_333, %parallel_loop3A_334] {strides = array<i32>} : memref<13x8x256xf32, #tpu.memory_space<vmem>>, vector<16xf32>,
        tpu.vector_store %arg8[%parallel_loop3A_332, %parallel_loop3A_333, %parallel_loop3A_334], %parallel_loop3A_328 {strides = array<i32>} : memref<13x8x256xf32, #tpu.memory_space<vmem>>, vector<16xf32>,
        %parallel_loop3A_336 = arith.constant 3 : i32
        %parallel_loop3A_337 = vector.broadcast %parallel_loop3A_336 : i32 to vector<16xi32>
        %parallel_loop3A_338 = arith.addi %parallel_loop3A_302, %parallel_loop3A_337 : vector<16xi32>
        %parallel_loop3A_339 = tpu.vector_load_idx %arg5[%parallel_loop3A_338] : memref<13000xf32, #tpu.memory_space<vmem>>[vector<16xi32>], vector<16xf32>,
        %parallel_loop3A_340 = arith.constant 16 : i32
        %parallel_loop3A_341 = arith.muli %parallel_loop3A_294, %parallel_loop3A_340 : i32
        %parallel_loop3A_342 = arith.constant 3 : i32
        %parallel_loop3A_343 = arith.index_cast %parallel_loop3A_342 : i32 to index
        %parallel_loop3A_344 = arith.index_cast %parallel_loop3A_278 : i32 to index
        %parallel_loop3A_345 = arith.index_cast %parallel_loop3A_341 : i32 to index
        %parallel_loop3A_346 = tpu.vector_load %arg8[%parallel_loop3A_343, %parallel_loop3A_344, %parallel_loop3A_345] {strides = array<i32>} : memref<13x8x256xf32, #tpu.memory_space<vmem>>, vector<16xf32>,
        tpu.vector_store %arg8[%parallel_loop3A_343, %parallel_loop3A_344, %parallel_loop3A_345], %parallel_loop3A_339 {strides = array<i32>} : memref<13x8x256xf32, #tpu.memory_space<vmem>>, vector<16xf32>,
        %parallel_loop3A_347 = arith.constant 4 : i32
        %parallel_loop3A_348 = vector.broadcast %parallel_loop3A_347 : i32 to vector<16xi32>
        %parallel_loop3A_349 = arith.addi %parallel_loop3A_302, %parallel_loop3A_348 : vector<16xi32>
        %parallel_loop3A_350 = tpu.vector_load_idx %arg5[%parallel_loop3A_349] : memref<13000xf32, #tpu.memory_space<vmem>>[vector<16xi32>], vector<16xf32>,
        %parallel_loop3A_351 = arith.constant 16 : i32
        %parallel_loop3A_352 = arith.muli %parallel_loop3A_294, %parallel_loop3A_351 : i32
        %parallel_loop3A_353 = arith.constant 4 : i32
        %parallel_loop3A_354 = arith.index_cast %parallel_loop3A_353 : i32 to index
        %parallel_loop3A_355 = arith.index_cast %parallel_loop3A_278 : i32 to index
        %parallel_loop3A_356 = arith.index_cast %parallel_loop3A_352 : i32 to index
        %parallel_loop3A_357 = tpu.vector_load %arg8[%parallel_loop3A_354, %parallel_loop3A_355, %parallel_loop3A_356] {strides = array<i32>} : memref<13x8x256xf32, #tpu.memory_space<vmem>>, vector<16xf32>,
        tpu.vector_store %arg8[%parallel_loop3A_354, %parallel_loop3A_355, %parallel_loop3A_356], %parallel_loop3A_350 {strides = array<i32>} : memref<13x8x256xf32, #tpu.memory_space<vmem>>, vector<16xf32>,
        %parallel_loop3A_358 = arith.constant 5 : i32
        %parallel_loop3A_359 = vector.broadcast %parallel_loop3A_358 : i32 to vector<16xi32>
        %parallel_loop3A_360 = arith.addi %parallel_loop3A_302, %parallel_loop3A_359 : vector<16xi32>
        %parallel_loop3A_361 = tpu.vector_load_idx %arg5[%parallel_loop3A_360] : memref<13000xf32, #tpu.memory_space<vmem>>[vector<16xi32>], vector<16xf32>,
        %parallel_loop3A_362 = arith.constant 16 : i32
        %parallel_loop3A_363 = arith.muli %parallel_loop3A_294, %parallel_loop3A_362 : i32
        %parallel_loop3A_364 = arith.constant 5 : i32
        %parallel_loop3A_365 = arith.index_cast %parallel_loop3A_364 : i32 to index
        %parallel_loop3A_366 = arith.index_cast %parallel_loop3A_278 : i32 to index
        %parallel_loop3A_367 = arith.index_cast %parallel_loop3A_363 : i32 to index
        %parallel_loop3A_368 = tpu.vector_load %arg8[%parallel_loop3A_365, %parallel_loop3A_366, %parallel_loop3A_367] {strides = array<i32>} : memref<13x8x256xf32, #tpu.memory_space<vmem>>, vector<16xf32>,
        tpu.vector_store %arg8[%parallel_loop3A_365, %parallel_loop3A_366, %parallel_loop3A_367], %parallel_loop3A_361 {strides = array<i32>} : memref<13x8x256xf32, #tpu.memory_space<vmem>>, vector<16xf32>,
        %parallel_loop3A_369 = arith.constant 6 : i32
        %parallel_loop3A_370 = vector.broadcast %parallel_loop3A_369 : i32 to vector<16xi32>
        %parallel_loop3A_371 = arith.addi %parallel_loop3A_302, %parallel_loop3A_370 : vector<16xi32>
        %parallel_loop3A_372 = tpu.vector_load_idx %arg5[%parallel_loop3A_371] : memref<13000xf32, #tpu.memory_space<vmem>>[vector<16xi32>], vector<16xf32>,
        %parallel_loop3A_373 = arith.constant 16 : i32
        %parallel_loop3A_374 = arith.muli %parallel_loop3A_294, %parallel_loop3A_373 : i32
        %parallel_loop3A_375 = arith.constant 6 : i32
        %parallel_loop3A_376 = arith.index_cast %parallel_loop3A_375 : i32 to index
        %parallel_loop3A_377 = arith.index_cast %parallel_loop3A_278 : i32 to index
        %parallel_loop3A_378 = arith.index_cast %parallel_loop3A_374 : i32 to index
        %parallel_loop3A_379 = tpu.vector_load %arg8[%parallel_loop3A_376, %parallel_loop3A_377, %parallel_loop3A_378] {strides = array<i32>} : memref<13x8x256xf32, #tpu.memory_space<vmem>>, vector<16xf32>,
        tpu.vector_store %arg8[%parallel_loop3A_376, %parallel_loop3A_377, %parallel_loop3A_378], %parallel_loop3A_372 {strides = array<i32>} : memref<13x8x256xf32, #tpu.memory_space<vmem>>, vector<16xf32>,
        %parallel_loop3A_380 = arith.constant 7 : i32
        %parallel_loop3A_381 = vector.broadcast %parallel_loop3A_380 : i32 to vector<16xi32>
        %parallel_loop3A_382 = arith.addi %parallel_loop3A_302, %parallel_loop3A_381 : vector<16xi32>
        %parallel_loop3A_383 = tpu.vector_load_idx %arg5[%parallel_loop3A_382] : memref<13000xf32, #tpu.memory_space<vmem>>[vector<16xi32>], vector<16xf32>,
        %parallel_loop3A_384 = arith.constant 16 : i32
        %parallel_loop3A_385 = arith.muli %parallel_loop3A_294, %parallel_loop3A_384 : i32
        %parallel_loop3A_386 = arith.constant 7 : i32
        %parallel_loop3A_387 = arith.index_cast %parallel_loop3A_386 : i32 to index
        %parallel_loop3A_388 = arith.index_cast %parallel_loop3A_278 : i32 to index
        %parallel_loop3A_389 = arith.index_cast %parallel_loop3A_385 : i32 to index
        %parallel_loop3A_390 = tpu.vector_load %arg8[%parallel_loop3A_387, %parallel_loop3A_388, %parallel_loop3A_389] {strides = array<i32>} : memref<13x8x256xf32, #tpu.memory_space<vmem>>, vector<16xf32>,
        tpu.vector_store %arg8[%parallel_loop3A_387, %parallel_loop3A_388, %parallel_loop3A_389], %parallel_loop3A_383 {strides = array<i32>} : memref<13x8x256xf32, #tpu.memory_space<vmem>>, vector<16xf32>,
        %parallel_loop3A_391 = arith.constant 8 : i32
        %parallel_loop3A_392 = vector.broadcast %parallel_loop3A_391 : i32 to vector<16xi32>
        %parallel_loop3A_393 = arith.addi %parallel_loop3A_302, %parallel_loop3A_392 : vector<16xi32>
        %parallel_loop3A_394 = tpu.vector_load_idx %arg5[%parallel_loop3A_393] : memref<13000xf32, #tpu.memory_space<vmem>>[vector<16xi32>], vector<16xf32>,
        %parallel_loop3A_395 = arith.constant 16 : i32
        %parallel_loop3A_396 = arith.muli %parallel_loop3A_294, %parallel_loop3A_395 : i32
        %parallel_loop3A_397 = arith.constant 8 : i32
        %parallel_loop3A_398 = arith.index_cast %parallel_loop3A_397 : i32 to index
        %parallel_loop3A_399 = arith.index_cast %parallel_loop3A_278 : i32 to index
        %parallel_loop3A_400 = arith.index_cast %parallel_loop3A_396 : i32 to index
        %parallel_loop3A_401 = tpu.vector_load %arg8[%parallel_loop3A_398, %parallel_loop3A_399, %parallel_loop3A_400] {strides = array<i32>} : memref<13x8x256xf32, #tpu.memory_space<vmem>>, vector<16xf32>,
        tpu.vector_store %arg8[%parallel_loop3A_398, %parallel_loop3A_399, %parallel_loop3A_400], %parallel_loop3A_394 {strides = array<i32>} : memref<13x8x256xf32, #tpu.memory_space<vmem>>, vector<16xf32>,
        %parallel_loop3A_402 = arith.constant 9 : i32
        %parallel_loop3A_403 = vector.broadcast %parallel_loop3A_402 : i32 to vector<16xi32>
        %parallel_loop3A_404 = arith.addi %parallel_loop3A_302, %parallel_loop3A_403 : vector<16xi32>
        %parallel_loop3A_405 = tpu.vector_load_idx %arg5[%parallel_loop3A_404] : memref<13000xf32, #tpu.memory_space<vmem>>[vector<16xi32>], vector<16xf32>,
        %parallel_loop3A_406 = arith.constant 16 : i32
        %parallel_loop3A_407 = arith.muli %parallel_loop3A_294, %parallel_loop3A_406 : i32
        %parallel_loop3A_408 = arith.constant 9 : i32
        %parallel_loop3A_409 = arith.index_cast %parallel_loop3A_408 : i32 to index
        %parallel_loop3A_410 = arith.index_cast %parallel_loop3A_278 : i32 to index
        %parallel_loop3A_411 = arith.index_cast %parallel_loop3A_407 : i32 to index
        %parallel_loop3A_412 = tpu.vector_load %arg8[%parallel_loop3A_409, %parallel_loop3A_410, %parallel_loop3A_411] {strides = array<i32>} : memref<13x8x256xf32, #tpu.memory_space<vmem>>, vector<16xf32>,
        tpu.vector_store %arg8[%parallel_loop3A_409, %parallel_loop3A_410, %parallel_loop3A_411], %parallel_loop3A_405 {strides = array<i32>} : memref<13x8x256xf32, #tpu.memory_space<vmem>>, vector<16xf32>,
        %parallel_loop3A_413 = arith.constant 10 : i32
        %parallel_loop3A_414 = vector.broadcast %parallel_loop3A_413 : i32 to vector<16xi32>
        %parallel_loop3A_415 = arith.addi %parallel_loop3A_302, %parallel_loop3A_414 : vector<16xi32>
        %parallel_loop3A_416 = tpu.vector_load_idx %arg5[%parallel_loop3A_415] : memref<13000xf32, #tpu.memory_space<vmem>>[vector<16xi32>], vector<16xf32>,
        %parallel_loop3A_417 = arith.constant 16 : i32
        %parallel_loop3A_418 = arith.muli %parallel_loop3A_294, %parallel_loop3A_417 : i32
        %parallel_loop3A_419 = arith.constant 10 : i32
        %parallel_loop3A_420 = arith.index_cast %parallel_loop3A_419 : i32 to index
        %parallel_loop3A_421 = arith.index_cast %parallel_loop3A_278 : i32 to index
        %parallel_loop3A_422 = arith.index_cast %parallel_loop3A_418 : i32 to index
        %parallel_loop3A_423 = tpu.vector_load %arg8[%parallel_loop3A_420, %parallel_loop3A_421, %parallel_loop3A_422] {strides = array<i32>} : memref<13x8x256xf32, #tpu.memory_space<vmem>>, vector<16xf32>,
        tpu.vector_store %arg8[%parallel_loop3A_420, %parallel_loop3A_421, %parallel_loop3A_422], %parallel_loop3A_416 {strides = array<i32>} : memref<13x8x256xf32, #tpu.memory_space<vmem>>, vector<16xf32>,
        %parallel_loop3A_424 = arith.constant 11 : i32
        %parallel_loop3A_425 = vector.broadcast %parallel_loop3A_424 : i32 to vector<16xi32>
        %parallel_loop3A_426 = arith.addi %parallel_loop3A_302, %parallel_loop3A_425 : vector<16xi32>
        %parallel_loop3A_427 = tpu.vector_load_idx %arg5[%parallel_loop3A_426] : memref<13000xf32, #tpu.memory_space<vmem>>[vector<16xi32>], vector<16xf32>,
        %parallel_loop3A_428 = arith.constant 16 : i32
        %parallel_loop3A_429 = arith.muli %parallel_loop3A_294, %parallel_loop3A_428 : i32
        %parallel_loop3A_430 = arith.constant 11 : i32
        %parallel_loop3A_431 = arith.index_cast %parallel_loop3A_430 : i32 to index
        %parallel_loop3A_432 = arith.index_cast %parallel_loop3A_278 : i32 to index
        %parallel_loop3A_433 = arith.index_cast %parallel_loop3A_429 : i32 to index
        %parallel_loop3A_434 = tpu.vector_load %arg8[%parallel_loop3A_431, %parallel_loop3A_432, %parallel_loop3A_433] {strides = array<i32>} : memref<13x8x256xf32, #tpu.memory_space<vmem>>, vector<16xf32>,
        tpu.vector_store %arg8[%parallel_loop3A_431, %parallel_loop3A_432, %parallel_loop3A_433], %parallel_loop3A_427 {strides = array<i32>} : memref<13x8x256xf32, #tpu.memory_space<vmem>>, vector<16xf32>,
        %parallel_loop3A_435 = arith.constant 12 : i32
        %parallel_loop3A_436 = vector.broadcast %parallel_loop3A_435 : i32 to vector<16xi32>
        %parallel_loop3A_437 = arith.addi %parallel_loop3A_302, %parallel_loop3A_436 : vector<16xi32>
        %parallel_loop3A_438 = tpu.vector_load_idx %arg5[%parallel_loop3A_437] : memref<13000xf32, #tpu.memory_space<vmem>>[vector<16xi32>], vector<16xf32>,
        %parallel_loop3A_439 = arith.constant 16 : i32
        %parallel_loop3A_440 = arith.muli %parallel_loop3A_294, %parallel_loop3A_439 : i32
        %parallel_loop3A_441 = arith.constant 12 : i32
        %parallel_loop3A_442 = arith.index_cast %parallel_loop3A_441 : i32 to index
        %parallel_loop3A_443 = arith.index_cast %parallel_loop3A_278 : i32 to index
        %parallel_loop3A_444 = arith.index_cast %parallel_loop3A_440 : i32 to index
        %parallel_loop3A_445 = tpu.vector_load %arg8[%parallel_loop3A_442, %parallel_loop3A_443, %parallel_loop3A_444] {strides = array<i32>} : memref<13x8x256xf32, #tpu.memory_space<vmem>>, vector<16xf32>,
        tpu.vector_store %arg8[%parallel_loop3A_442, %parallel_loop3A_443, %parallel_loop3A_444], %parallel_loop3A_438 {strides = array<i32>} : memref<13x8x256xf32, #tpu.memory_space<vmem>>, vector<16xf32>,
      } {sc.loop_unroll_factor = 1 : i64, sc.parallel_access}
      %jit3A_82 = arith.constant 2 : i32
      %div3A_83 = arith.divsi %add3A_40, %jit3A_82 : i32
      %sign3A_84 = arith.constant 0 : i32
      %sign3A_85 = arith.cmpi sgt, %add3A_40, %sign3A_84 : i32
      %sign3A_86 = arith.extui %sign3A_85 : i1 to i32
      %sign3A_87 = arith.constant 0 : i32
      %sign3A_88 = arith.cmpi slt, %add3A_40, %sign3A_87 : i32
      %sign3A_89 = arith.extui %sign3A_88 : i1 to i32
      %sign3A_90 = arith.subi %sign3A_86, %sign3A_89 : i32
      %sign3A_91 = arith.constant 0 : i32
      %sign3A_92 = arith.cmpi sgt, %jit3A_82, %sign3A_91 : i32
      %sign3A_93 = arith.extui %sign3A_92 : i1 to i32
      %sign3A_94 = arith.constant 0 : i32
      %sign3A_95 = arith.cmpi slt, %jit3A_82, %sign3A_94 : i32
      %sign3A_96 = arith.extui %sign3A_95 : i1 to i32
      %sign3A_97 = arith.subi %sign3A_93, %sign3A_96 : i32
      %ne3A_98 = arith.cmpi ne, %sign3A_90, %sign3A_97 : i32
      %rem3A_99 = arith.remsi %add3A_40, %jit3A_82 : i32
      %ne3A_100 = arith.constant 0 : i32
      %ne3A_101 = arith.cmpi ne, %rem3A_99, %ne3A_100 : i32
      %and3A_102 = arith.andi %ne3A_98, %ne3A_101 : i1
      %sub3A_103 = arith.constant 1 : i32
      %sub3A_104 = arith.subi %div3A_83, %sub3A_103 : i32
      %select_n3A_105 = arith.select %and3A_102, %sub3A_104, %div3A_83 : i32
      %jit3A_106 = arith.constant 2 : i32
      %eq3A_107 = arith.constant 0 : i32
      %eq3A_108 = arith.cmpi eq, %jit3A_106, %eq3A_107 : i32
      %jit3A_109 = arith.constant 1 : i32
      %select_n3A_110 = arith.select %eq3A_108, %jit3A_109, %jit3A_106 : i32
      %rem3A_111 = arith.remsi %add3A_40, %select_n3A_110 : i32
      %ne3A_112 = arith.constant 0 : i32
      %ne3A_113 = arith.cmpi ne, %rem3A_111, %ne3A_112 : i32
      %lt3A_114 = arith.constant 0 : i32
      %lt3A_115 = arith.cmpi slt, %rem3A_111, %lt3A_114 : i32
      %lt3A_116 = arith.constant 0 : i32
      %lt3A_117 = arith.cmpi slt, %select_n3A_110, %lt3A_116 : i32
      %ne3A_118 = arith.xori %lt3A_115, %lt3A_117 : i1
      %and3A_119 = arith.andi %ne3A_118, %ne3A_113 : i1
      %add3A_120 = arith.addi %rem3A_111, %select_n3A_110 : i32
      %select_n3A_121 = arith.select %and3A_119, %add3A_120, %rem3A_111 : i32
      %mul3A_122 = arith.constant 8 : i32
      %mul3A_123 = arith.muli %select_n3A_105, %mul3A_122 : i32
      %mul3A_124 = arith.constant 256 : i32
      %mul3A_125 = arith.muli %select_n3A_121, %mul3A_124 : i32
      %add3A_126 = arith.addi %mul3A_2, %mul3A_125 : i32
      %dma_start3A_127 = arith.constant 0 : i32
      %dma_start3A_128 = tpu.memref_slice %arg4[%dma_start3A_127, %mul3A_123, %add3A_126] : memref<13x200x16384xf32, #tpu.memory_space<hbm>> -> memref<13x8x256xf32, #tpu.memory_space<hbm>>
      %dma_start3A_129 = arith.constant 0 : i32
      %dma_start3A_130 = tpu.memref_slice %arg4[%dma_start3A_129, %mul3A_123, %add3A_126] : memref<13x200x16384xf32, #tpu.memory_space<hbm>> -> memref<13x8x256xf32, #tpu.memory_space<hbm>>
      tpu.enqueue_dma source(%arg8 : memref<13x8x256xf32, #tpu.memory_space<vmem>>) target(%dma_start3A_130 : memref<13x8x256xf32, #tpu.memory_space<hbm>>) target_semaphore(%arg12 : memref<!tpu.dma_semaphore, #tpu.memory_space<semaphore_mem>>)
      %add3A_131 = arith.constant 2 : i32
      %add3A_132 = arith.addi %add3A_40, %add3A_131 : i32
      %lt3A_133 = arith.constant 50 : i32
      %lt3A_134 = arith.cmpi slt, %add3A_132, %lt3A_133 : i32
      %convert_element_type3A_135 = arith.extui %lt3A_134 : i1 to i32
      %cond3A_136 = arith.constant 0 : i32
      %cond3A_137 = arith.cmpi ne, %convert_element_type3A_135, %cond3A_136 : i32
      scf.if %cond3A_137 {
        %add3A_254 = arith.constant 2 : i32
        %add3A_255 = arith.addi %add3A_40, %add3A_254 : i32
        %jit3A_256 = arith.constant 2 : i32
        %div3A_257 = arith.divsi %add3A_255, %jit3A_256 : i32
        %sign3A_258 = arith.constant 0 : i32
        %sign3A_259 = arith.cmpi sgt, %add3A_255, %sign3A_258 : i32
        %sign3A_260 = arith.extui %sign3A_259 : i1 to i32
        %sign3A_261 = arith.constant 0 : i32
        %sign3A_262 = arith.cmpi slt, %add3A_255, %sign3A_261 : i32
        %sign3A_263 = arith.extui %sign3A_262 : i1 to i32
        %sign3A_264 = arith.subi %sign3A_260, %sign3A_263 : i32
        %sign3A_265 = arith.constant 0 : i32
        %sign3A_266 = arith.cmpi sgt, %jit3A_256, %sign3A_265 : i32
        %sign3A_267 = arith.extui %sign3A_266 : i1 to i32
        %sign3A_268 = arith.constant 0 : i32
        %sign3A_269 = arith.cmpi slt, %jit3A_256, %sign3A_268 : i32
        %sign3A_270 = arith.extui %sign3A_269 : i1 to i32
        %sign3A_271 = arith.subi %sign3A_267, %sign3A_270 : i32
        %ne3A_272 = arith.cmpi ne, %sign3A_264, %sign3A_271 : i32
        %rem3A_273 = arith.remsi %add3A_255, %jit3A_256 : i32
        %ne3A_274 = arith.constant 0 : i32
        %ne3A_275 = arith.cmpi ne, %rem3A_273, %ne3A_274 : i32
        %and3A_276 = arith.andi %ne3A_272, %ne3A_275 : i1
        %sub3A_277 = arith.constant 1 : i32
        %sub3A_278 = arith.subi %div3A_257, %sub3A_277 : i32
        %select_n3A_279 = arith.select %and3A_276, %sub3A_278, %div3A_257 : i32
        %jit3A_280 = arith.constant 2 : i32
        %eq3A_281 = arith.constant 0 : i32
        %eq3A_282 = arith.cmpi eq, %jit3A_280, %eq3A_281 : i32
        %jit3A_283 = arith.constant 1 : i32
        %select_n3A_284 = arith.select %eq3A_282, %jit3A_283, %jit3A_280 : i32
        %rem3A_285 = arith.remsi %add3A_255, %select_n3A_284 : i32
        %ne3A_286 = arith.constant 0 : i32
        %ne3A_287 = arith.cmpi ne, %rem3A_285, %ne3A_286 : i32
        %lt3A_288 = arith.constant 0 : i32
        %lt3A_289 = arith.cmpi slt, %rem3A_285, %lt3A_288 : i32
        %lt3A_290 = arith.constant 0 : i32
        %lt3A_291 = arith.cmpi slt, %select_n3A_284, %lt3A_290 : i32
        %ne3A_292 = arith.xori %lt3A_289, %lt3A_291 : i1
        %and3A_293 = arith.andi %ne3A_292, %ne3A_287 : i1
        %add3A_294 = arith.addi %rem3A_285, %select_n3A_284 : i32
        %select_n3A_295 = arith.select %and3A_293, %add3A_294, %rem3A_285 : i32
        %mul3A_296 = arith.constant 8 : i32
        %mul3A_297 = arith.muli %select_n3A_279, %mul3A_296 : i32
        %mul3A_298 = arith.constant 256 : i32
        %mul3A_299 = arith.muli %select_n3A_295, %mul3A_298 : i32
        %add3A_300 = arith.addi %mul3A_2, %mul3A_299 : i32
        %dma_start3A_301 = tpu.memref_slice %arg2[%mul3A_297, %add3A_300] : memref<200x16384xi32, #tpu.memory_space<hbm>> -> memref<8x256xi32, #tpu.memory_space<hbm>>
        %dma_start3A_302 = tpu.memref_slice %arg2[%mul3A_297, %add3A_300] : memref<200x16384xi32, #tpu.memory_space<hbm>> -> memref<8x256xi32, #tpu.memory_space<hbm>>
        tpu.enqueue_dma source(%dma_start3A_302 : memref<8x256xi32, #tpu.memory_space<hbm>>) target(%arg6 : memref<8x256xi32, #tpu.memory_space<vmem>>) target_semaphore(%arg10 : memref<!tpu.dma_semaphore, #tpu.memory_space<semaphore_mem>>)
      } else {
      }
      %mul3A_138 = arith.constant 2 : i32
      %mul3A_139 = arith.muli %scan3A_35, %mul3A_138 : i32
      %add3A_140 = arith.constant 1 : i32
      %add3A_141 = arith.addi %mul3A_139, %add3A_140 : i32
      %jit3A_142 = arith.constant 2 : i32
      %div3A_143 = arith.divsi %add3A_141, %jit3A_142 : i32
      %sign3A_144 = arith.constant 0 : i32
      %sign3A_145 = arith.cmpi sgt, %add3A_141, %sign3A_144 : i32
      %sign3A_146 = arith.extui %sign3A_145 : i1 to i32
      %sign3A_147 = arith.constant 0 : i32
      %sign3A_148 = arith.cmpi slt, %add3A_141, %sign3A_147 : i32
      %sign3A_149 = arith.extui %sign3A_148 : i1 to i32
      %sign3A_150 = arith.subi %sign3A_146, %sign3A_149 : i32
      %sign3A_151 = arith.constant 0 : i32
      %sign3A_152 = arith.cmpi sgt, %jit3A_142, %sign3A_151 : i32
      %sign3A_153 = arith.extui %sign3A_152 : i1 to i32
      %sign3A_154 = arith.constant 0 : i32
      %sign3A_155 = arith.cmpi slt, %jit3A_142, %sign3A_154 : i32
      %sign3A_156 = arith.extui %sign3A_155 : i1 to i32
      %sign3A_157 = arith.subi %sign3A_153, %sign3A_156 : i32
      %ne3A_158 = arith.cmpi ne, %sign3A_150, %sign3A_157 : i32
      %rem3A_159 = arith.remsi %add3A_141, %jit3A_142 : i32
      %ne3A_160 = arith.constant 0 : i32
      %ne3A_161 = arith.cmpi ne, %rem3A_159, %ne3A_160 : i32
      %and3A_162 = arith.andi %ne3A_158, %ne3A_161 : i1
      %sub3A_163 = arith.constant 1 : i32
      %sub3A_164 = arith.subi %div3A_143, %sub3A_163 : i32
      %select_n3A_165 = arith.select %and3A_162, %sub3A_164, %div3A_143 : i32
      %jit3A_166 = arith.constant 2 : i32
      %eq3A_167 = arith.constant 0 : i32
      %eq3A_168 = arith.cmpi eq, %jit3A_166, %eq3A_167 : i32
      %jit3A_169 = arith.constant 1 : i32
      %select_n3A_170 = arith.select %eq3A_168, %jit3A_169, %jit3A_166 : i32
      %rem3A_171 = arith.remsi %add3A_141, %select_n3A_170 : i32
      %ne3A_172 = arith.constant 0 : i32
      %ne3A_173 = arith.cmpi ne, %rem3A_171, %ne3A_172 : i32
      %lt3A_174 = arith.constant 0 : i32
      %lt3A_175 = arith.cmpi slt, %rem3A_171, %lt3A_174 : i32
      %lt3A_176 = arith.constant 0 : i32
      %lt3A_177 = arith.cmpi slt, %select_n3A_170, %lt3A_176 : i32
      %ne3A_178 = arith.xori %lt3A_175, %lt3A_177 : i1
      %and3A_179 = arith.andi %ne3A_178, %ne3A_173 : i1
      %add3A_180 = arith.addi %rem3A_171, %select_n3A_170 : i32
      %select_n3A_181 = arith.select %and3A_179, %add3A_180, %rem3A_171 : i32
      %mul3A_182 = arith.constant 8 : i32
      %mul3A_183 = arith.muli %select_n3A_165, %mul3A_182 : i32
      %mul3A_184 = arith.constant 256 : i32
      %mul3A_185 = arith.muli %select_n3A_181, %mul3A_184 : i32
      %add3A_186 = arith.addi %mul3A_2, %mul3A_185 : i32
      %dma_wait3A_187 = tpu.memref_slice %arg2[%mul3A_183, %add3A_186] : memref<200x16384xi32, #tpu.memory_space<hbm>> -> memref<8x256xi32, #tpu.memory_space<hbm>>
      %dma_wait3A_188 = tpu.memref_slice %arg2[%mul3A_183, %add3A_186] : memref<200x16384xi32, #tpu.memory_space<hbm>> -> memref<8x256xi32, #tpu.memory_space<hbm>>
      tpu.wait_dma2 semaphore(%arg11 : memref<!tpu.dma_semaphore, #tpu.memory_space<semaphore_mem>>) src(%dma_wait3A_188 : memref<8x256xi32, #tpu.memory_space<hbm>>) dst(%arg7 : memref<8x256xi32, #tpu.memory_space<vmem>>)
      %ge3A_189 = arith.constant 2 : i32
      %ge3A_190 = arith.cmpi sge, %add3A_141, %ge3A_189 : i32
      %convert_element_type3A_191 = arith.extui %ge3A_190 : i1 to i32
      %cond3A_192 = arith.constant 0 : i32
      %cond3A_193 = arith.cmpi ne, %convert_element_type3A_191, %cond3A_192 : i32
      scf.if %cond3A_193 {
        %sub3A_254 = arith.constant 2 : i32
        %sub3A_255 = arith.subi %add3A_141, %sub3A_254 : i32
        %jit3A_256 = arith.constant 2 : i32
        %div3A_257 = arith.divsi %sub3A_255, %jit3A_256 : i32
        %sign3A_258 = arith.constant 0 : i32
        %sign3A_259 = arith.cmpi sgt, %sub3A_255, %sign3A_258 : i32
        %sign3A_260 = arith.extui %sign3A_259 : i1 to i32
        %sign3A_261 = arith.constant 0 : i32
        %sign3A_262 = arith.cmpi slt, %sub3A_255, %sign3A_261 : i32
        %sign3A_263 = arith.extui %sign3A_262 : i1 to i32
        %sign3A_264 = arith.subi %sign3A_260, %sign3A_263 : i32
        %sign3A_265 = arith.constant 0 : i32
        %sign3A_266 = arith.cmpi sgt, %jit3A_256, %sign3A_265 : i32
        %sign3A_267 = arith.extui %sign3A_266 : i1 to i32
        %sign3A_268 = arith.constant 0 : i32
        %sign3A_269 = arith.cmpi slt, %jit3A_256, %sign3A_268 : i32
        %sign3A_270 = arith.extui %sign3A_269 : i1 to i32
        %sign3A_271 = arith.subi %sign3A_267, %sign3A_270 : i32
        %ne3A_272 = arith.cmpi ne, %sign3A_264, %sign3A_271 : i32
        %rem3A_273 = arith.remsi %sub3A_255, %jit3A_256 : i32
        %ne3A_274 = arith.constant 0 : i32
        %ne3A_275 = arith.cmpi ne, %rem3A_273, %ne3A_274 : i32
        %and3A_276 = arith.andi %ne3A_272, %ne3A_275 : i1
        %sub3A_277 = arith.constant 1 : i32
        %sub3A_278 = arith.subi %div3A_257, %sub3A_277 : i32
        %select_n3A_279 = arith.select %and3A_276, %sub3A_278, %div3A_257 : i32
        %jit3A_280 = arith.constant 2 : i32
        %eq3A_281 = arith.constant 0 : i32
        %eq3A_282 = arith.cmpi eq, %jit3A_280, %eq3A_281 : i32
        %jit3A_283 = arith.constant 1 : i32
        %select_n3A_284 = arith.select %eq3A_282, %jit3A_283, %jit3A_280 : i32
        %rem3A_285 = arith.remsi %sub3A_255, %select_n3A_284 : i32
        %ne3A_286 = arith.constant 0 : i32
        %ne3A_287 = arith.cmpi ne, %rem3A_285, %ne3A_286 : i32
        %lt3A_288 = arith.constant 0 : i32
        %lt3A_289 = arith.cmpi slt, %rem3A_285, %lt3A_288 : i32
        %lt3A_290 = arith.constant 0 : i32
        %lt3A_291 = arith.cmpi slt, %select_n3A_284, %lt3A_290 : i32
        %ne3A_292 = arith.xori %lt3A_289, %lt3A_291 : i1
        %and3A_293 = arith.andi %ne3A_292, %ne3A_287 : i1
        %add3A_294 = arith.addi %rem3A_285, %select_n3A_284 : i32
        %select_n3A_295 = arith.select %and3A_293, %add3A_294, %rem3A_285 : i32
        %mul3A_296 = arith.constant 8 : i32
        %mul3A_297 = arith.muli %select_n3A_279, %mul3A_296 : i32
        %mul3A_298 = arith.constant 256 : i32
        %mul3A_299 = arith.muli %select_n3A_295, %mul3A_298 : i32
        %add3A_300 = arith.addi %mul3A_2, %mul3A_299 : i32
        %dma_wait3A_301 = arith.constant 0 : i32
        %dma_wait3A_302 = tpu.memref_slice %arg4[%dma_wait3A_301, %mul3A_297, %add3A_300] : memref<13x200x16384xf32, #tpu.memory_space<hbm>> -> memref<13x8x256xf32, #tpu.memory_space<hbm>>
        %dma_wait3A_303 = arith.constant 0 : i32
        %dma_wait3A_304 = tpu.memref_slice %arg4[%dma_wait3A_303, %mul3A_297, %add3A_300] : memref<13x200x16384xf32, #tpu.memory_space<hbm>> -> memref<13x8x256xf32, #tpu.memory_space<hbm>>
        tpu.wait_dma2 semaphore(%arg13 : memref<!tpu.dma_semaphore, #tpu.memory_space<semaphore_mem>>) src(%arg9 : memref<13x8x256xf32, #tpu.memory_space<vmem>>) dst(%dma_wait3A_304 : memref<13x8x256xf32, #tpu.memory_space<hbm>>)
      } else {
      }
      %parallel_loop3A_194 = arith.constant 0 : i32
      %parallel_loop3A_195 = arith.constant 128 : i32
      %parallel_loop3A_196 = arith.constant 1 : i32
      scf.for %parallel_loop3A_254 = %parallel_loop3A_194 to %parallel_loop3A_195 step %parallel_loop3A_196  : i32 {
        %parallel_loop3A_255 = arith.constant 16 : i32
        %parallel_loop3A_256 = arith.divsi %parallel_loop3A_254, %parallel_loop3A_255 : i32
        %parallel_loop3A_257 = arith.constant 0 : i32
        %parallel_loop3A_258 = arith.cmpi sgt, %parallel_loop3A_254, %parallel_loop3A_257 : i32
        %parallel_loop3A_259 = arith.extui %parallel_loop3A_258 : i1 to i32
        %parallel_loop3A_260 = arith.constant 0 : i32
        %parallel_loop3A_261 = arith.cmpi slt, %parallel_loop3A_254, %parallel_loop3A_260 : i32
        %parallel_loop3A_262 = arith.extui %parallel_loop3A_261 : i1 to i32
        %parallel_loop3A_263 = arith.subi %parallel_loop3A_259, %parallel_loop3A_262 : i32
        %parallel_loop3A_264 = arith.constant 0 : i32
        %parallel_loop3A_265 = arith.cmpi sgt, %parallel_loop3A_255, %parallel_loop3A_264 : i32
        %parallel_loop3A_266 = arith.extui %parallel_loop3A_265 : i1 to i32
        %parallel_loop3A_267 = arith.constant 0 : i32
        %parallel_loop3A_268 = arith.cmpi slt, %parallel_loop3A_255, %parallel_loop3A_267 : i32
        %parallel_loop3A_269 = arith.extui %parallel_loop3A_268 : i1 to i32
        %parallel_loop3A_270 = arith.subi %parallel_loop3A_266, %parallel_loop3A_269 : i32
        %parallel_loop3A_271 = arith.cmpi ne, %parallel_loop3A_263, %parallel_loop3A_270 : i32
        %parallel_loop3A_272 = arith.remsi %parallel_loop3A_254, %parallel_loop3A_255 : i32
        %parallel_loop3A_273 = arith.constant 0 : i32
        %parallel_loop3A_274 = arith.cmpi ne, %parallel_loop3A_272, %parallel_loop3A_273 : i32
        %parallel_loop3A_275 = arith.andi %parallel_loop3A_271, %parallel_loop3A_274 : i1
        %parallel_loop3A_276 = arith.constant 1 : i32
        %parallel_loop3A_277 = arith.subi %parallel_loop3A_256, %parallel_loop3A_276 : i32
        %parallel_loop3A_278 = arith.select %parallel_loop3A_275, %parallel_loop3A_277, %parallel_loop3A_256 : i32
        %parallel_loop3A_279 = arith.constant 16 : i32
        %parallel_loop3A_280 = arith.constant 0 : i32
        %parallel_loop3A_281 = arith.cmpi eq, %parallel_loop3A_279, %parallel_loop3A_280 : i32
        %parallel_loop3A_282 = arith.constant 1 : i32
        %parallel_loop3A_283 = arith.select %parallel_loop3A_281, %parallel_loop3A_282, %parallel_loop3A_279 : i32
        %parallel_loop3A_284 = arith.remsi %parallel_loop3A_254, %parallel_loop3A_283 : i32
        %parallel_loop3A_285 = arith.constant 0 : i32
        %parallel_loop3A_286 = arith.cmpi ne, %parallel_loop3A_284, %parallel_loop3A_285 : i32
        %parallel_loop3A_287 = arith.constant 0 : i32
        %parallel_loop3A_288 = arith.cmpi slt, %parallel_loop3A_284, %parallel_loop3A_287 : i32
        %parallel_loop3A_289 = arith.constant 0 : i32
        %parallel_loop3A_290 = arith.cmpi slt, %parallel_loop3A_283, %parallel_loop3A_289 : i32
        %parallel_loop3A_291 = arith.xori %parallel_loop3A_288, %parallel_loop3A_290 : i1
        %parallel_loop3A_292 = arith.andi %parallel_loop3A_291, %parallel_loop3A_286 : i1
        %parallel_loop3A_293 = arith.addi %parallel_loop3A_284, %parallel_loop3A_283 : i32
        %parallel_loop3A_294 = arith.select %parallel_loop3A_292, %parallel_loop3A_293, %parallel_loop3A_284 : i32
        %parallel_loop3A_295 = arith.constant 16 : i32
        %parallel_loop3A_296 = arith.muli %parallel_loop3A_294, %parallel_loop3A_295 : i32
        %parallel_loop3A_297 = arith.index_cast %parallel_loop3A_278 : i32 to index
        %parallel_loop3A_298 = arith.index_cast %parallel_loop3A_296 : i32 to index
        %parallel_loop3A_299 = tpu.vector_load %arg7[%parallel_loop3A_297, %parallel_loop3A_298] {strides = array<i32>} : memref<8x256xi32, #tpu.memory_space<vmem>>, vector<16xi32>,
        %parallel_loop3A_300 = arith.constant 13 : i32
        %parallel_loop3A_301 = vector.broadcast %parallel_loop3A_300 : i32 to vector<16xi32>
        %parallel_loop3A_302 = arith.muli %parallel_loop3A_299, %parallel_loop3A_301 : vector<16xi32>
        %parallel_loop3A_303 = arith.constant 0 : i32
        %parallel_loop3A_304 = vector.broadcast %parallel_loop3A_303 : i32 to vector<16xi32>
        %parallel_loop3A_305 = arith.addi %parallel_loop3A_302, %parallel_loop3A_304 : vector<16xi32>
        %parallel_loop3A_306 = tpu.vector_load_idx %arg5[%parallel_loop3A_305] : memref<13000xf32, #tpu.memory_space<vmem>>[vector<16xi32>], vector<16xf32>,
        %parallel_loop3A_307 = arith.constant 16 : i32
        %parallel_loop3A_308 = arith.muli %parallel_loop3A_294, %parallel_loop3A_307 : i32
        %parallel_loop3A_309 = arith.constant 0 : i32
        %parallel_loop3A_310 = arith.index_cast %parallel_loop3A_309 : i32 to index
        %parallel_loop3A_311 = arith.index_cast %parallel_loop3A_278 : i32 to index
        %parallel_loop3A_312 = arith.index_cast %parallel_loop3A_308 : i32 to index
        %parallel_loop3A_313 = tpu.vector_load %arg9[%parallel_loop3A_310, %parallel_loop3A_311, %parallel_loop3A_312] {strides = array<i32>} : memref<13x8x256xf32, #tpu.memory_space<vmem>>, vector<16xf32>,
        tpu.vector_store %arg9[%parallel_loop3A_310, %parallel_loop3A_311, %parallel_loop3A_312], %parallel_loop3A_306 {strides = array<i32>} : memref<13x8x256xf32, #tpu.memory_space<vmem>>, vector<16xf32>,
        %parallel_loop3A_314 = arith.constant 1 : i32
        %parallel_loop3A_315 = vector.broadcast %parallel_loop3A_314 : i32 to vector<16xi32>
        %parallel_loop3A_316 = arith.addi %parallel_loop3A_302, %parallel_loop3A_315 : vector<16xi32>
        %parallel_loop3A_317 = tpu.vector_load_idx %arg5[%parallel_loop3A_316] : memref<13000xf32, #tpu.memory_space<vmem>>[vector<16xi32>], vector<16xf32>,
        %parallel_loop3A_318 = arith.constant 16 : i32
        %parallel_loop3A_319 = arith.muli %parallel_loop3A_294, %parallel_loop3A_318 : i32
        %parallel_loop3A_320 = arith.constant 1 : i32
        %parallel_loop3A_321 = arith.index_cast %parallel_loop3A_320 : i32 to index
        %parallel_loop3A_322 = arith.index_cast %parallel_loop3A_278 : i32 to index
        %parallel_loop3A_323 = arith.index_cast %parallel_loop3A_319 : i32 to index
        %parallel_loop3A_324 = tpu.vector_load %arg9[%parallel_loop3A_321, %parallel_loop3A_322, %parallel_loop3A_323] {strides = array<i32>} : memref<13x8x256xf32, #tpu.memory_space<vmem>>, vector<16xf32>,
        tpu.vector_store %arg9[%parallel_loop3A_321, %parallel_loop3A_322, %parallel_loop3A_323], %parallel_loop3A_317 {strides = array<i32>} : memref<13x8x256xf32, #tpu.memory_space<vmem>>, vector<16xf32>,
        %parallel_loop3A_325 = arith.constant 2 : i32
        %parallel_loop3A_326 = vector.broadcast %parallel_loop3A_325 : i32 to vector<16xi32>
        %parallel_loop3A_327 = arith.addi %parallel_loop3A_302, %parallel_loop3A_326 : vector<16xi32>
        %parallel_loop3A_328 = tpu.vector_load_idx %arg5[%parallel_loop3A_327] : memref<13000xf32, #tpu.memory_space<vmem>>[vector<16xi32>], vector<16xf32>,
        %parallel_loop3A_329 = arith.constant 16 : i32
        %parallel_loop3A_330 = arith.muli %parallel_loop3A_294, %parallel_loop3A_329 : i32
        %parallel_loop3A_331 = arith.constant 2 : i32
        %parallel_loop3A_332 = arith.index_cast %parallel_loop3A_331 : i32 to index
        %parallel_loop3A_333 = arith.index_cast %parallel_loop3A_278 : i32 to index
        %parallel_loop3A_334 = arith.index_cast %parallel_loop3A_330 : i32 to index
        %parallel_loop3A_335 = tpu.vector_load %arg9[%parallel_loop3A_332, %parallel_loop3A_333, %parallel_loop3A_334] {strides = array<i32>} : memref<13x8x256xf32, #tpu.memory_space<vmem>>, vector<16xf32>,
        tpu.vector_store %arg9[%parallel_loop3A_332, %parallel_loop3A_333, %parallel_loop3A_334], %parallel_loop3A_328 {strides = array<i32>} : memref<13x8x256xf32, #tpu.memory_space<vmem>>, vector<16xf32>,
        %parallel_loop3A_336 = arith.constant 3 : i32
        %parallel_loop3A_337 = vector.broadcast %parallel_loop3A_336 : i32 to vector<16xi32>
        %parallel_loop3A_338 = arith.addi %parallel_loop3A_302, %parallel_loop3A_337 : vector<16xi32>
        %parallel_loop3A_339 = tpu.vector_load_idx %arg5[%parallel_loop3A_338] : memref<13000xf32, #tpu.memory_space<vmem>>[vector<16xi32>], vector<16xf32>,
        %parallel_loop3A_340 = arith.constant 16 : i32
        %parallel_loop3A_341 = arith.muli %parallel_loop3A_294, %parallel_loop3A_340 : i32
        %parallel_loop3A_342 = arith.constant 3 : i32
        %parallel_loop3A_343 = arith.index_cast %parallel_loop3A_342 : i32 to index
        %parallel_loop3A_344 = arith.index_cast %parallel_loop3A_278 : i32 to index
        %parallel_loop3A_345 = arith.index_cast %parallel_loop3A_341 : i32 to index
        %parallel_loop3A_346 = tpu.vector_load %arg9[%parallel_loop3A_343, %parallel_loop3A_344, %parallel_loop3A_345] {strides = array<i32>} : memref<13x8x256xf32, #tpu.memory_space<vmem>>, vector<16xf32>,
        tpu.vector_store %arg9[%parallel_loop3A_343, %parallel_loop3A_344, %parallel_loop3A_345], %parallel_loop3A_339 {strides = array<i32>} : memref<13x8x256xf32, #tpu.memory_space<vmem>>, vector<16xf32>,
        %parallel_loop3A_347 = arith.constant 4 : i32
        %parallel_loop3A_348 = vector.broadcast %parallel_loop3A_347 : i32 to vector<16xi32>
        %parallel_loop3A_349 = arith.addi %parallel_loop3A_302, %parallel_loop3A_348 : vector<16xi32>
        %parallel_loop3A_350 = tpu.vector_load_idx %arg5[%parallel_loop3A_349] : memref<13000xf32, #tpu.memory_space<vmem>>[vector<16xi32>], vector<16xf32>,
        %parallel_loop3A_351 = arith.constant 16 : i32
        %parallel_loop3A_352 = arith.muli %parallel_loop3A_294, %parallel_loop3A_351 : i32
        %parallel_loop3A_353 = arith.constant 4 : i32
        %parallel_loop3A_354 = arith.index_cast %parallel_loop3A_353 : i32 to index
        %parallel_loop3A_355 = arith.index_cast %parallel_loop3A_278 : i32 to index
        %parallel_loop3A_356 = arith.index_cast %parallel_loop3A_352 : i32 to index
        %parallel_loop3A_357 = tpu.vector_load %arg9[%parallel_loop3A_354, %parallel_loop3A_355, %parallel_loop3A_356] {strides = array<i32>} : memref<13x8x256xf32, #tpu.memory_space<vmem>>, vector<16xf32>,
        tpu.vector_store %arg9[%parallel_loop3A_354, %parallel_loop3A_355, %parallel_loop3A_356], %parallel_loop3A_350 {strides = array<i32>} : memref<13x8x256xf32, #tpu.memory_space<vmem>>, vector<16xf32>,
        %parallel_loop3A_358 = arith.constant 5 : i32
        %parallel_loop3A_359 = vector.broadcast %parallel_loop3A_358 : i32 to vector<16xi32>
        %parallel_loop3A_360 = arith.addi %parallel_loop3A_302, %parallel_loop3A_359 : vector<16xi32>
        %parallel_loop3A_361 = tpu.vector_load_idx %arg5[%parallel_loop3A_360] : memref<13000xf32, #tpu.memory_space<vmem>>[vector<16xi32>], vector<16xf32>,
        %parallel_loop3A_362 = arith.constant 16 : i32
        %parallel_loop3A_363 = arith.muli %parallel_loop3A_294, %parallel_loop3A_362 : i32
        %parallel_loop3A_364 = arith.constant 5 : i32
        %parallel_loop3A_365 = arith.index_cast %parallel_loop3A_364 : i32 to index
        %parallel_loop3A_366 = arith.index_cast %parallel_loop3A_278 : i32 to index
        %parallel_loop3A_367 = arith.index_cast %parallel_loop3A_363 : i32 to index
        %parallel_loop3A_368 = tpu.vector_load %arg9[%parallel_loop3A_365, %parallel_loop3A_366, %parallel_loop3A_367] {strides = array<i32>} : memref<13x8x256xf32, #tpu.memory_space<vmem>>, vector<16xf32>,
        tpu.vector_store %arg9[%parallel_loop3A_365, %parallel_loop3A_366, %parallel_loop3A_367], %parallel_loop3A_361 {strides = array<i32>} : memref<13x8x256xf32, #tpu.memory_space<vmem>>, vector<16xf32>,
        %parallel_loop3A_369 = arith.constant 6 : i32
        %parallel_loop3A_370 = vector.broadcast %parallel_loop3A_369 : i32 to vector<16xi32>
        %parallel_loop3A_371 = arith.addi %parallel_loop3A_302, %parallel_loop3A_370 : vector<16xi32>
        %parallel_loop3A_372 = tpu.vector_load_idx %arg5[%parallel_loop3A_371] : memref<13000xf32, #tpu.memory_space<vmem>>[vector<16xi32>], vector<16xf32>,
        %parallel_loop3A_373 = arith.constant 16 : i32
        %parallel_loop3A_374 = arith.muli %parallel_loop3A_294, %parallel_loop3A_373 : i32
        %parallel_loop3A_375 = arith.constant 6 : i32
        %parallel_loop3A_376 = arith.index_cast %parallel_loop3A_375 : i32 to index
        %parallel_loop3A_377 = arith.index_cast %parallel_loop3A_278 : i32 to index
        %parallel_loop3A_378 = arith.index_cast %parallel_loop3A_374 : i32 to index
        %parallel_loop3A_379 = tpu.vector_load %arg9[%parallel_loop3A_376, %parallel_loop3A_377, %parallel_loop3A_378] {strides = array<i32>} : memref<13x8x256xf32, #tpu.memory_space<vmem>>, vector<16xf32>,
        tpu.vector_store %arg9[%parallel_loop3A_376, %parallel_loop3A_377, %parallel_loop3A_378], %parallel_loop3A_372 {strides = array<i32>} : memref<13x8x256xf32, #tpu.memory_space<vmem>>, vector<16xf32>,
        %parallel_loop3A_380 = arith.constant 7 : i32
        %parallel_loop3A_381 = vector.broadcast %parallel_loop3A_380 : i32 to vector<16xi32>
        %parallel_loop3A_382 = arith.addi %parallel_loop3A_302, %parallel_loop3A_381 : vector<16xi32>
        %parallel_loop3A_383 = tpu.vector_load_idx %arg5[%parallel_loop3A_382] : memref<13000xf32, #tpu.memory_space<vmem>>[vector<16xi32>], vector<16xf32>,
        %parallel_loop3A_384 = arith.constant 16 : i32
        %parallel_loop3A_385 = arith.muli %parallel_loop3A_294, %parallel_loop3A_384 : i32
        %parallel_loop3A_386 = arith.constant 7 : i32
        %parallel_loop3A_387 = arith.index_cast %parallel_loop3A_386 : i32 to index
        %parallel_loop3A_388 = arith.index_cast %parallel_loop3A_278 : i32 to index
        %parallel_loop3A_389 = arith.index_cast %parallel_loop3A_385 : i32 to index
        %parallel_loop3A_390 = tpu.vector_load %arg9[%parallel_loop3A_387, %parallel_loop3A_388, %parallel_loop3A_389] {strides = array<i32>} : memref<13x8x256xf32, #tpu.memory_space<vmem>>, vector<16xf32>,
        tpu.vector_store %arg9[%parallel_loop3A_387, %parallel_loop3A_388, %parallel_loop3A_389], %parallel_loop3A_383 {strides = array<i32>} : memref<13x8x256xf32, #tpu.memory_space<vmem>>, vector<16xf32>,
        %parallel_loop3A_391 = arith.constant 8 : i32
        %parallel_loop3A_392 = vector.broadcast %parallel_loop3A_391 : i32 to vector<16xi32>
        %parallel_loop3A_393 = arith.addi %parallel_loop3A_302, %parallel_loop3A_392 : vector<16xi32>
        %parallel_loop3A_394 = tpu.vector_load_idx %arg5[%parallel_loop3A_393] : memref<13000xf32, #tpu.memory_space<vmem>>[vector<16xi32>], vector<16xf32>,
        %parallel_loop3A_395 = arith.constant 16 : i32
        %parallel_loop3A_396 = arith.muli %parallel_loop3A_294, %parallel_loop3A_395 : i32
        %parallel_loop3A_397 = arith.constant 8 : i32
        %parallel_loop3A_398 = arith.index_cast %parallel_loop3A_397 : i32 to index
        %parallel_loop3A_399 = arith.index_cast %parallel_loop3A_278 : i32 to index
        %parallel_loop3A_400 = arith.index_cast %parallel_loop3A_396 : i32 to index
        %parallel_loop3A_401 = tpu.vector_load %arg9[%parallel_loop3A_398, %parallel_loop3A_399, %parallel_loop3A_400] {strides = array<i32>} : memref<13x8x256xf32, #tpu.memory_space<vmem>>, vector<16xf32>,
        tpu.vector_store %arg9[%parallel_loop3A_398, %parallel_loop3A_399, %parallel_loop3A_400], %parallel_loop3A_394 {strides = array<i32>} : memref<13x8x256xf32, #tpu.memory_space<vmem>>, vector<16xf32>,
        %parallel_loop3A_402 = arith.constant 9 : i32
        %parallel_loop3A_403 = vector.broadcast %parallel_loop3A_402 : i32 to vector<16xi32>
        %parallel_loop3A_404 = arith.addi %parallel_loop3A_302, %parallel_loop3A_403 : vector<16xi32>
        %parallel_loop3A_405 = tpu.vector_load_idx %arg5[%parallel_loop3A_404] : memref<13000xf32, #tpu.memory_space<vmem>>[vector<16xi32>], vector<16xf32>,
        %parallel_loop3A_406 = arith.constant 16 : i32
        %parallel_loop3A_407 = arith.muli %parallel_loop3A_294, %parallel_loop3A_406 : i32
        %parallel_loop3A_408 = arith.constant 9 : i32
        %parallel_loop3A_409 = arith.index_cast %parallel_loop3A_408 : i32 to index
        %parallel_loop3A_410 = arith.index_cast %parallel_loop3A_278 : i32 to index
        %parallel_loop3A_411 = arith.index_cast %parallel_loop3A_407 : i32 to index
        %parallel_loop3A_412 = tpu.vector_load %arg9[%parallel_loop3A_409, %parallel_loop3A_410, %parallel_loop3A_411] {strides = array<i32>} : memref<13x8x256xf32, #tpu.memory_space<vmem>>, vector<16xf32>,
        tpu.vector_store %arg9[%parallel_loop3A_409, %parallel_loop3A_410, %parallel_loop3A_411], %parallel_loop3A_405 {strides = array<i32>} : memref<13x8x256xf32, #tpu.memory_space<vmem>>, vector<16xf32>,
        %parallel_loop3A_413 = arith.constant 10 : i32
        %parallel_loop3A_414 = vector.broadcast %parallel_loop3A_413 : i32 to vector<16xi32>
        %parallel_loop3A_415 = arith.addi %parallel_loop3A_302, %parallel_loop3A_414 : vector<16xi32>
        %parallel_loop3A_416 = tpu.vector_load_idx %arg5[%parallel_loop3A_415] : memref<13000xf32, #tpu.memory_space<vmem>>[vector<16xi32>], vector<16xf32>,
        %parallel_loop3A_417 = arith.constant 16 : i32
        %parallel_loop3A_418 = arith.muli %parallel_loop3A_294, %parallel_loop3A_417 : i32
        %parallel_loop3A_419 = arith.constant 10 : i32
        %parallel_loop3A_420 = arith.index_cast %parallel_loop3A_419 : i32 to index
        %parallel_loop3A_421 = arith.index_cast %parallel_loop3A_278 : i32 to index
        %parallel_loop3A_422 = arith.index_cast %parallel_loop3A_418 : i32 to index
        %parallel_loop3A_423 = tpu.vector_load %arg9[%parallel_loop3A_420, %parallel_loop3A_421, %parallel_loop3A_422] {strides = array<i32>} : memref<13x8x256xf32, #tpu.memory_space<vmem>>, vector<16xf32>,
        tpu.vector_store %arg9[%parallel_loop3A_420, %parallel_loop3A_421, %parallel_loop3A_422], %parallel_loop3A_416 {strides = array<i32>} : memref<13x8x256xf32, #tpu.memory_space<vmem>>, vector<16xf32>,
        %parallel_loop3A_424 = arith.constant 11 : i32
        %parallel_loop3A_425 = vector.broadcast %parallel_loop3A_424 : i32 to vector<16xi32>
        %parallel_loop3A_426 = arith.addi %parallel_loop3A_302, %parallel_loop3A_425 : vector<16xi32>
        %parallel_loop3A_427 = tpu.vector_load_idx %arg5[%parallel_loop3A_426] : memref<13000xf32, #tpu.memory_space<vmem>>[vector<16xi32>], vector<16xf32>,
        %parallel_loop3A_428 = arith.constant 16 : i32
        %parallel_loop3A_429 = arith.muli %parallel_loop3A_294, %parallel_loop3A_428 : i32
        %parallel_loop3A_430 = arith.constant 11 : i32
        %parallel_loop3A_431 = arith.index_cast %parallel_loop3A_430 : i32 to index
        %parallel_loop3A_432 = arith.index_cast %parallel_loop3A_278 : i32 to index
        %parallel_loop3A_433 = arith.index_cast %parallel_loop3A_429 : i32 to index
        %parallel_loop3A_434 = tpu.vector_load %arg9[%parallel_loop3A_431, %parallel_loop3A_432, %parallel_loop3A_433] {strides = array<i32>} : memref<13x8x256xf32, #tpu.memory_space<vmem>>, vector<16xf32>,
        tpu.vector_store %arg9[%parallel_loop3A_431, %parallel_loop3A_432, %parallel_loop3A_433], %parallel_loop3A_427 {strides = array<i32>} : memref<13x8x256xf32, #tpu.memory_space<vmem>>, vector<16xf32>,
        %parallel_loop3A_435 = arith.constant 12 : i32
        %parallel_loop3A_436 = vector.broadcast %parallel_loop3A_435 : i32 to vector<16xi32>
        %parallel_loop3A_437 = arith.addi %parallel_loop3A_302, %parallel_loop3A_436 : vector<16xi32>
        %parallel_loop3A_438 = tpu.vector_load_idx %arg5[%parallel_loop3A_437] : memref<13000xf32, #tpu.memory_space<vmem>>[vector<16xi32>], vector<16xf32>,
        %parallel_loop3A_439 = arith.constant 16 : i32
        %parallel_loop3A_440 = arith.muli %parallel_loop3A_294, %parallel_loop3A_439 : i32
        %parallel_loop3A_441 = arith.constant 12 : i32
        %parallel_loop3A_442 = arith.index_cast %parallel_loop3A_441 : i32 to index
        %parallel_loop3A_443 = arith.index_cast %parallel_loop3A_278 : i32 to index
        %parallel_loop3A_444 = arith.index_cast %parallel_loop3A_440 : i32 to index
        %parallel_loop3A_445 = tpu.vector_load %arg9[%parallel_loop3A_442, %parallel_loop3A_443, %parallel_loop3A_444] {strides = array<i32>} : memref<13x8x256xf32, #tpu.memory_space<vmem>>, vector<16xf32>,
        tpu.vector_store %arg9[%parallel_loop3A_442, %parallel_loop3A_443, %parallel_loop3A_444], %parallel_loop3A_438 {strides = array<i32>} : memref<13x8x256xf32, #tpu.memory_space<vmem>>, vector<16xf32>,
      } {sc.loop_unroll_factor = 1 : i64, sc.parallel_access}
      %jit3A_197 = arith.constant 2 : i32
      %div3A_198 = arith.divsi %add3A_141, %jit3A_197 : i32
      %sign3A_199 = arith.constant 0 : i32
      %sign3A_200 = arith.cmpi sgt, %add3A_141, %sign3A_199 : i32
      %sign3A_201 = arith.extui %sign3A_200 : i1 to i32
      %sign3A_202 = arith.constant 0 : i32
      %sign3A_203 = arith.cmpi slt, %add3A_141, %sign3A_202 : i32
      %sign3A_204 = arith.extui %sign3A_203 : i1 to i32
      %sign3A_205 = arith.subi %sign3A_201, %sign3A_204 : i32
      %sign3A_206 = arith.constant 0 : i32
      %sign3A_207 = arith.cmpi sgt, %jit3A_197, %sign3A_206 : i32
      %sign3A_208 = arith.extui %sign3A_207 : i1 to i32
      %sign3A_209 = arith.constant 0 : i32
      %sign3A_210 = arith.cmpi slt, %jit3A_197, %sign3A_209 : i32
      %sign3A_211 = arith.extui %sign3A_210 : i1 to i32
      %sign3A_212 = arith.subi %sign3A_208, %sign3A_211 : i32
      %ne3A_213 = arith.cmpi ne, %sign3A_205, %sign3A_212 : i32
      %rem3A_214 = arith.remsi %add3A_141, %jit3A_197 : i32
      %ne3A_215 = arith.constant 0 : i32
      %ne3A_216 = arith.cmpi ne, %rem3A_214, %ne3A_215 : i32
      %and3A_217 = arith.andi %ne3A_213, %ne3A_216 : i1
      %sub3A_218 = arith.constant 1 : i32
      %sub3A_219 = arith.subi %div3A_198, %sub3A_218 : i32
      %select_n3A_220 = arith.select %and3A_217, %sub3A_219, %div3A_198 : i32
      %jit3A_221 = arith.constant 2 : i32
      %eq3A_222 = arith.constant 0 : i32
      %eq3A_223 = arith.cmpi eq, %jit3A_221, %eq3A_222 : i32
      %jit3A_224 = arith.constant 1 : i32
      %select_n3A_225 = arith.select %eq3A_223, %jit3A_224, %jit3A_221 : i32
      %rem3A_226 = arith.remsi %add3A_141, %select_n3A_225 : i32
      %ne3A_227 = arith.constant 0 : i32
      %ne3A_228 = arith.cmpi ne, %rem3A_226, %ne3A_227 : i32
      %lt3A_229 = arith.constant 0 : i32
      %lt3A_230 = arith.cmpi slt, %rem3A_226, %lt3A_229 : i32
      %lt3A_231 = arith.constant 0 : i32
      %lt3A_232 = arith.cmpi slt, %select_n3A_225, %lt3A_231 : i32
      %ne3A_233 = arith.xori %lt3A_230, %lt3A_232 : i1
      %and3A_234 = arith.andi %ne3A_233, %ne3A_228 : i1
      %add3A_235 = arith.addi %rem3A_226, %select_n3A_225 : i32
      %select_n3A_236 = arith.select %and3A_234, %add3A_235, %rem3A_226 : i32
      %mul3A_237 = arith.constant 8 : i32
      %mul3A_238 = arith.muli %select_n3A_220, %mul3A_237 : i32
      %mul3A_239 = arith.constant 256 : i32
      %mul3A_240 = arith.muli %select_n3A_236, %mul3A_239 : i32
      %add3A_241 = arith.addi %mul3A_2, %mul3A_240 : i32
      %dma_start3A_242 = arith.constant 0 : i32
      %dma_start3A_243 = tpu.memref_slice %arg4[%dma_start3A_242, %mul3A_238, %add3A_241] : memref<13x200x16384xf32, #tpu.memory_space<hbm>> -> memref<13x8x256xf32, #tpu.memory_space<hbm>>
      %dma_start3A_244 = arith.constant 0 : i32
      %dma_start3A_245 = tpu.memref_slice %arg4[%dma_start3A_244, %mul3A_238, %add3A_241] : memref<13x200x16384xf32, #tpu.memory_space<hbm>> -> memref<13x8x256xf32, #tpu.memory_space<hbm>>
      tpu.enqueue_dma source(%arg9 : memref<13x8x256xf32, #tpu.memory_space<vmem>>) target(%dma_start3A_245 : memref<13x8x256xf32, #tpu.memory_space<hbm>>) target_semaphore(%arg13 : memref<!tpu.dma_semaphore, #tpu.memory_space<semaphore_mem>>)
      %add3A_246 = arith.constant 2 : i32
      %add3A_247 = arith.addi %add3A_141, %add3A_246 : i32
      %lt3A_248 = arith.constant 50 : i32
      %lt3A_249 = arith.cmpi slt, %add3A_247, %lt3A_248 : i32
      %convert_element_type3A_250 = arith.extui %lt3A_249 : i1 to i32
      %cond3A_251 = arith.constant 0 : i32
      %cond3A_252 = arith.cmpi ne, %convert_element_type3A_250, %cond3A_251 : i32
      scf.if %cond3A_252 {
        %add3A_254 = arith.constant 2 : i32
        %add3A_255 = arith.addi %add3A_141, %add3A_254 : i32
        %jit3A_256 = arith.constant 2 : i32
        %div3A_257 = arith.divsi %add3A_255, %jit3A_256 : i32
        %sign3A_258 = arith.constant 0 : i32
        %sign3A_259 = arith.cmpi sgt, %add3A_255, %sign3A_258 : i32
        %sign3A_260 = arith.extui %sign3A_259 : i1 to i32
        %sign3A_261 = arith.constant 0 : i32
        %sign3A_262 = arith.cmpi slt, %add3A_255, %sign3A_261 : i32
        %sign3A_263 = arith.extui %sign3A_262 : i1 to i32
        %sign3A_264 = arith.subi %sign3A_260, %sign3A_263 : i32
        %sign3A_265 = arith.constant 0 : i32
        %sign3A_266 = arith.cmpi sgt, %jit3A_256, %sign3A_265 : i32
        %sign3A_267 = arith.extui %sign3A_266 : i1 to i32
        %sign3A_268 = arith.constant 0 : i32
        %sign3A_269 = arith.cmpi slt, %jit3A_256, %sign3A_268 : i32
        %sign3A_270 = arith.extui %sign3A_269 : i1 to i32
        %sign3A_271 = arith.subi %sign3A_267, %sign3A_270 : i32
        %ne3A_272 = arith.cmpi ne, %sign3A_264, %sign3A_271 : i32
        %rem3A_273 = arith.remsi %add3A_255, %jit3A_256 : i32
        %ne3A_274 = arith.constant 0 : i32
        %ne3A_275 = arith.cmpi ne, %rem3A_273, %ne3A_274 : i32
        %and3A_276 = arith.andi %ne3A_272, %ne3A_275 : i1
        %sub3A_277 = arith.constant 1 : i32
        %sub3A_278 = arith.subi %div3A_257, %sub3A_277 : i32
        %select_n3A_279 = arith.select %and3A_276, %sub3A_278, %div3A_257 : i32
        %jit3A_280 = arith.constant 2 : i32
        %eq3A_281 = arith.constant 0 : i32
        %eq3A_282 = arith.cmpi eq, %jit3A_280, %eq3A_281 : i32
        %jit3A_283 = arith.constant 1 : i32
        %select_n3A_284 = arith.select %eq3A_282, %jit3A_283, %jit3A_280 : i32
        %rem3A_285 = arith.remsi %add3A_255, %select_n3A_284 : i32
        %ne3A_286 = arith.constant 0 : i32
        %ne3A_287 = arith.cmpi ne, %rem3A_285, %ne3A_286 : i32
        %lt3A_288 = arith.constant 0 : i32
        %lt3A_289 = arith.cmpi slt, %rem3A_285, %lt3A_288 : i32
        %lt3A_290 = arith.constant 0 : i32
        %lt3A_291 = arith.cmpi slt, %select_n3A_284, %lt3A_290 : i32
        %ne3A_292 = arith.xori %lt3A_289, %lt3A_291 : i1
        %and3A_293 = arith.andi %ne3A_292, %ne3A_287 : i1
        %add3A_294 = arith.addi %rem3A_285, %select_n3A_284 : i32
        %select_n3A_295 = arith.select %and3A_293, %add3A_294, %rem3A_285 : i32
        %mul3A_296 = arith.constant 8 : i32
        %mul3A_297 = arith.muli %select_n3A_279, %mul3A_296 : i32
        %mul3A_298 = arith.constant 256 : i32
        %mul3A_299 = arith.muli %select_n3A_295, %mul3A_298 : i32
        %add3A_300 = arith.addi %mul3A_2, %mul3A_299 : i32
        %dma_start3A_301 = tpu.memref_slice %arg2[%mul3A_297, %add3A_300] : memref<200x16384xi32, #tpu.memory_space<hbm>> -> memref<8x256xi32, #tpu.memory_space<hbm>>
        %dma_start3A_302 = tpu.memref_slice %arg2[%mul3A_297, %add3A_300] : memref<200x16384xi32, #tpu.memory_space<hbm>> -> memref<8x256xi32, #tpu.memory_space<hbm>>
        tpu.enqueue_dma source(%dma_start3A_302 : memref<8x256xi32, #tpu.memory_space<hbm>>) target(%arg7 : memref<8x256xi32, #tpu.memory_space<vmem>>) target_semaphore(%arg11 : memref<!tpu.dma_semaphore, #tpu.memory_space<semaphore_mem>>)
      } else {
      }
      %scan3A_253 = arith.constant 0 : i32
      scf.yield %scan3A_253 : i32
    }
    %scan3A_19 = arith.constant 25 : i32
    %add3A_20 = arith.constant 0 : i32
    %add3A_21 = arith.addi %mul3A_2, %add3A_20 : i32
    %dma_wait3A = arith.constant 0 : i32
    %dma_wait3A_22 = arith.constant 192 : i32
    %dma_wait3A_23 = tpu.memref_slice %arg4[%dma_wait3A, %dma_wait3A_22, %add3A_21] : memref<13x200x16384xf32, #tpu.memory_space<hbm>> -> memref<13x8x256xf32, #tpu.memory_space<hbm>>
    %dma_wait3A_24 = arith.constant 0 : i32
    %dma_wait3A_25 = arith.constant 192 : i32
    %dma_wait3A_26 = tpu.memref_slice %arg4[%dma_wait3A_24, %dma_wait3A_25, %add3A_21] : memref<13x200x16384xf32, #tpu.memory_space<hbm>> -> memref<13x8x256xf32, #tpu.memory_space<hbm>>
    tpu.wait_dma2 semaphore(%arg12 : memref<!tpu.dma_semaphore, #tpu.memory_space<semaphore_mem>>) src(%arg8 : memref<13x8x256xf32, #tpu.memory_space<vmem>>) dst(%dma_wait3A_26 : memref<13x8x256xf32, #tpu.memory_space<hbm>>)
    %add3A_27 = arith.constant 256 : i32
    %add3A_28 = arith.addi %mul3A_2, %add3A_27 : i32
    %dma_wait3A_29 = arith.constant 0 : i32
    %dma_wait3A_30 = arith.constant 192 : i32
    %dma_wait3A_31 = tpu.memref_slice %arg4[%dma_wait3A_29, %dma_wait3A_30, %add3A_28] : memref<13x200x16384xf32, #tpu.memory_space<hbm>> -> memref<13x8x256xf32, #tpu.memory_space<hbm>>
    %dma_wait3A_32 = arith.constant 0 : i32
    %dma_wait3A_33 = arith.constant 192 : i32
    %dma_wait3A_34 = tpu.memref_slice %arg4[%dma_wait3A_32, %dma_wait3A_33, %add3A_28] : memref<13x200x16384xf32, #tpu.memory_space<hbm>> -> memref<13x8x256xf32, #tpu.memory_space<hbm>>
    tpu.wait_dma2 semaphore(%arg13 : memref<!tpu.dma_semaphore, #tpu.memory_space<semaphore_mem>>) src(%arg9 : memref<13x8x256xf32, #tpu.memory_space<vmem>>) dst(%dma_wait3A_34 : memref<13x8x256xf32, #tpu.memory_space<hbm>>)
    return
  }
}

</mosaic_0001>

<sc_bundles>
// kernel: kernel.3.cloned.1.call-start
scs
__scs_entry_jumppad:
0x0: {  	(pc) =	sbr.rel $0x88, $3  }
0x1: {  	(tag) =	ssettag $0x0;
	lr =	simm.s32 $0x1  }
0x2: {  	[smem:$0x3F9F] =	sst lr;
	_ =	strace $0xD0000000  }
0x3: {  	_ = 	snop  }
0x4: {  	_ = 	snop  }
0x5: {  	_ = 	snop  }
0x6: {  	_ = 	snop  }
0x7: {  	_ = 	snop  }
__scs_overlays_trampoline_lowered:
0x8: {  	[smem:$0x3FAE] =	sst s0  }
0x9: {  	[smem:$0x3FAF] =	sst s1  }
0xa: {  	[smem:$0x3FB0] =	sst s2  }
0xb: {  	[smem:$0x3FB1] =	sst s3  }
0xc: {  	[smem:$0x3FB2] =	sst s4  }
0xd: {  	[smem:$0x3FB3] =	sst s5  }
0xe: {  	[smem:$0x3FB4] =	sst s6  }
0xf: {  	[smem:$0x3FB5] =	sst s7  }
0x10: {  	[smem:$0x3FB6] =	sst s8  }
0x11: {  	[smem:$0x3FB7] =	sst s9;
	s0 =	simm.s32 @!p0 $0x0  }
0x12: {  	s1 =	sld [smem:$0x3F9D];
	s0 =	simm.s32 @p0 $0x1  }
0x13: {  	[smem:$0x3FB8] =	sst s0;
	s0 =	simm.s32 @!p1 $0x0  }
0x14: {  	s2 =	sld [smem:$0x3F9C];
	s0 =	simm.s32 @p1 $0x1  }
0x15: {  	[smem:$0x3FB9] =	sst s0;
	s0 =	simm.s32 @!p2 $0x0  }
0x16: {  	s3 =	sld [smem:$0x3FDB];
	s0 =	simm.s32 @p2 $0x1  }
0x17: {  	s4 =	simm.s32 $0x1BF5;
	[smem:$0x3FBB] =	sst s0  }
0x18: {  	s0 =	sld [smem:$0x3F9E];
	_ =	swait.ge [sflag:s4], $0x0  }
0x19: {  	s7 =	sld [smem:$0x3F9F]  }
0x1a: {  	s8 =	sadd.s32 $0xFFFFE003, lr  }
0x1b: {  	s9 =	sadd.s32 $0xFFFFFEF7, lr;
	s5 =	simm.s32 $0xFFFFFFFF;
	p2 =	slt.u32 s8, $0xFFFFF086  }
0x1c: {  	p1 =	slt.u32 s9, $0xF7A;
	s5 =	simm.s32 @!p2 $0x0  }
0x1d: {  	s5 =	simm.s32 @p1 $0x1;
	p0 =	seq.s32 s7, s2  }
0x1e: {  	s7 =	smul.u32 @!p0 $0xF7A, s2;
	p2 =	seq.s32 @!p0 s5, $0x0  }
0x1f: {  	s9 =	smul.u32 $0xF7A, s1;
	s8 =	simm.s32 @!p0 $0x1BF5;
	p2 =	por !p2, p0  }
0x20: {  	[sflag:s8] =	ssyncset.s32 @!p0 $0xFFFFF086;
	s6 =	sadd.s32 @!p0 s3, s7;
	s7 =	simm.s32 @!p0 $0x108  }
0x21: {  	s3 =	sadd.s32 s3, s9;
	s6 =	sadd.s32 @!p0 $0x88, s6;
	s7 =	simm.s32 @p2 $0x1082  }
0x22: {  	[simem:s7], [sflag:s8] =	dma.local @!p0 [hbm:s6], $0xF7A  }
0x23: {  	s9 =	sor.u32 $0xD0000000, s2;
	s6 =	simm.s32 $0x108;
	_ =	swait.ge @!p0 [sflag:s8], $0x0  }
0x24: {  	s3 =	sadd.s32 $0x88, s3;
	s6 =	simm.s32 @!p1 $0x1082;
	[sflag:s4] =	ssyncset.s32 $0xFFFFF086  }
0x25: {  	[simem:s6], [sflag:s4] =	dma.local [hbm:s3], $0xF7A  }
0x26: {  	[smem:$0x3F9F] =	sst s1;
	(tag) =	ssettag s2;
	_ =	strace s9  }
0x27: {  	s1 =	sld [smem:$0x3FAF]  }
0x28: {  	s2 =	sld [smem:$0x3FB0]  }
0x29: {  	s4 =	sld [smem:$0x3FB2]  }
0x2a: {  	p0 =	seq.s32 s5, $0x0;
	s5 =	sld [smem:$0x3FB3]  }
0x2b: {  	s6 =	sld [smem:$0x3FB4]  }
0x2c: {  	s7 =	sld [smem:$0x3FB5]  }
0x2d: {  	s3 =	simm.s32 $0x108;
	s8 =	sld [smem:$0x3FB6]  }
0x2e: {  	s3 =	simm.s32 @!p0 $0x1082;
	s9 =	sld [smem:$0x3FB7]  }
0x2f: {  	lr =	sadd.s32 s0, s3;
	s0 =	sld [smem:$0x3FAE]  }
0x30: {  	s3 =	sld [smem:$0x3FB1]  }
0x31: {  	[smem:$0x3FBA] =	sst s10  }
0x32: {  	s10 =	sld [smem:$0x3FB8];
	_ =	sdelay $0x3  }
0x33: {  	p0 =	seq.s32 s10, $0x1;
	s10 =	sld [smem:$0x3FBA];
	_ =	sdelay $0x3  }
0x34: {  	[smem:$0x3FBA] =	sst s10  }
0x35: {  	s10 =	sld [smem:$0x3FB9];
	_ =	sdelay $0x3  }
0x36: {  	p1 =	seq.s32 s10, $0x1;
	s10 =	sld [smem:$0x3FBA];
	_ =	sdelay $0x3  }
0x37: {  	[smem:$0x3FBA] =	sst s10  }
0x38: {  	s10 =	sld [smem:$0x3FBB]  }
0x39: {  	_ = 	snop;
	(pc) =	sbr.ind lr, $3  }
0x3a: {  	_ = 	snop  }
0x3b: {  	_ = 	snop  }
0x3c: {  	p2 =	seq.s32 s10, $0x1;
	s10 =	sld [smem:$0x3FBA]  }
0x3d: {  	_ =	shalt  }
0x3e: {  	_ =	shalt  }
0x3f: {  	_ =	shalt  }
0x40: {  	_ =	shalt  }
0x41: {  	_ =	shalt  }
0x42: {  	_ =	shalt  }
0x43: {  	_ =	shalt  }
0x44: {  	_ =	shalt  }
0x45: {  	_ =	shalt  }
0x46: {  	_ =	shalt  }
0x47: {  	_ =	shalt  }
0x48: {  	_ =	shalt  }
0x49: {  	_ =	shalt  }
0x4a: {  	_ =	shalt  }
0x4b: {  	_ =	shalt  }
0x4c: {  	_ =	shalt  }
0x4d: {  	_ =	shalt  }
0x4e: {  	_ =	shalt  }
0x4f: {  	_ =	shalt  }
0x50: {  	_ =	shalt  }
0x51: {  	_ =	shalt  }
0x52: {  	_ =	shalt  }
0x53: {  	_ =	shalt  }
0x54: {  	_ =	shalt  }
0x55: {  	_ =	shalt  }
0x56: {  	_ =	shalt  }
0x57: {  	_ =	shalt  }
0x58: {  	_ =	shalt  }
0x59: {  	_ =	shalt  }
0x5a: {  	_ =	shalt  }
0x5b: {  	_ =	shalt  }
0x5c: {  	_ =	shalt  }
0x5d: {  	_ =	shalt  }
0x5e: {  	_ =	shalt  }
0x5f: {  	_ =	shalt  }
0x60: {  	_ =	shalt  }
0x61: {  	_ =	shalt  }
0x62: {  	_ =	shalt  }
0x63: {  	_ =	shalt  }
0x64: {  	_ =	shalt  }
0x65: {  	_ =	shalt  }
0x66: {  	_ =	shalt  }
0x67: {  	_ =	shalt  }
0x68: {  	_ =	shalt  }
0x69: {  	_ =	shalt  }
0x6a: {  	_ =	shalt  }
0x6b: {  	_ =	shalt  }
0x6c: {  	_ =	shalt  }
0x6d: {  	_ =	shalt  }
0x6e: {  	_ =	shalt  }
0x6f: {  	_ =	shalt  }
0x70: {  	_ =	shalt  }
0x71: {  	_ =	shalt  }
0x72: {  	_ =	shalt  }
0x73: {  	_ =	shalt  }
0x74: {  	_ =	shalt  }
0x75: {  	_ =	shalt  }
0x76: {  	_ =	shalt  }
0x77: {  	_ =	shalt  }
0x78: {  	_ =	shalt  }
0x79: {  	_ =	shalt  }
0x7a: {  	_ =	shalt  }
0x7b: {  	_ =	shalt  }
0x7c: {  	_ =	shalt  }
0x7d: {  	_ =	shalt  }
0x7e: {  	_ =	shalt  }
0x7f: {  	_ =	shalt  }
0x80: {  	_ =	shalt  }
0x81: {  	_ =	shalt  }
0x82: {  	_ =	shalt  }
0x83: {  	_ =	shalt  }
0x84: {  	_ =	shalt  }
0x85: {  	_ =	shalt  }
0x86: {  	_ =	shalt  }
0x87: {  	_ =	shalt  }
.Lfunc_end0:
.L_simem_size_0:
called_computation_lowered:
.L_overlay_start_0:
0x88: {  	s2 =	sld [smem:$0x3FD9]  }
0x89: {  	s3 =	sld [smem:$0x3FFE];
	_ =	sdelay $0x1  }
0x8a: {  	s1 =	srdreg.scid  }
0x8b: {  	s0 =	sand.u32 $0x1, s1  }
0x8c: {  	s17 =	sshll.u32 s0, $0xA;
	s2 =	sadd.s32 s3, s2  }
0x8d: {  	s2 =	sadd.s32 s2, s17  }
0x8e: {  	[smem:$0x3FC6] =	sst s2  }
0x8f: {  	_ = 	snop  }
0x90: {  	s2 =	sld [smem:$0x3FC9]  }
0x91: {  	s18 =	sld [smem:$0x3FD0];
	(tm) =	ssettm $0x1  }
0x92: {  	s4 =	sld [smem:$0x3FFB];
	_ =	sdelay $0x3  }
0x93: {  	_ =	strace s4  }
0x94: {  	s4 =	sld [smem:$0x3FFC];
	_ =	sdelay $0x3  }
0x95: {  	_ =	strace s4  }
0x96: {  	s4 =	sld [smem:$0x3FFD];
	_ =	sdelay $0x3  }
0x97: {  	_ =	strace s4  }
0x98: {  	_ =	strace $0x8FFFFFFF  }
0x99: {  	s19 =	sld [smem:$0x3FDB];
	_ =	sdelay $0x1  }
0x9a: {  	s5 =	simm.s32 $_scs_section_size  }
0x9b: {  	s6 =	simm.s32 $_size__tile_overlayer_lowered;
	s7 =	simm.s32 $_tile_overlayer_lowered  }
0x9c: {  	s22 =	simm.s32 $0x1BFF;
	s21 =	sshll.u32 s7, $0x1;
	s4 =	sadd.s32 s5, s19  }
0x9d: {  	s8 =	simm.s32 $0x0;
	s20 =	sshll.u32 s6, $0x1;
	s6 =	sadd.s32 s21, s4  }
0x9e: {  	[timem:s8], [sflag:s22] =	dma.local [hbm:s6], s20  }
0x9f: {  	_ =	swait.ge [sflag:s22], s20  }
0xa0: {  	s5 =	ssub.s32 $0x0, s20;
	[sflag:s22] =	ssyncset.done $0x0  }
0xa1: {  	[sflag:s22] =	ssyncadd.s32 s5;
	_ =	sdelay $0x1  }
0xa2: {  	s23 =	simm.s32 $0x1B8B  }
0xa3: {  	_ =	swait.ge [sflag:s23], $0x1  }
0xa4: {  	[sflag:s23] =	ssyncset.done $0x0  }
0xa5: {  	s25 =	simm.s32 $0x1B8E;
	s24 =	sld [smem:$0x3FFE];
	[sflag:s23] =	ssyncadd.s32 $0xFFFFFFFF  }
0xa6: {  	s26 =	simm.s32 $execute0_lowered;
	[smem:$0x3FD2] =	sst s25  }
0xa7: {  	s6 =	sshll.u32 s26, $0x1;
	_ =	strace $0x80000046;
	[dreg:$0x1] =	wrdreg $0xFFFFFFFF  }
0xa8: {  	s28 =	simm.s32 $_size_execute0_lowered;
	s4 =	sadd.s32 s4, s6;
	[dreg:$0x0] =	wrdreg $0x0  }
0xa9: {  	s6 =	sshll.u32 s28, $0x1;
	[dreg:$0x2] =	wrdreg s4  }
0xaa: {  	[dreg:$0x3] =	wrdreg s6  }
0xab: {  	[dreg:$0x4] =	wrdreg $0xC0  }
0xac: {  	_ =	task [dreg:s8], $0x5FFFF  }
0xad: {  	[dreg:$0x1] =	wrdreg $0xFFFFFFFF  }
0xae: {  	[dreg:$0x0] =	wrdreg $0x60  }
0xaf: {  	[dreg:$0x2] =	wrdreg s2  }
0xb0: {  	[dreg:$0x3] =	wrdreg s24  }
0xb1: {  	[dreg:$0x4] =	wrdreg s18  }
0xb2: {  	[dreg:$0x5] =	wrdreg $0x9  }
0xb3: {  	_ =	task.clear_ibuf [dreg:s8], $0x6FFFF;
	_ =	strace $0x90000046  }
0xb4: {  	s29 =	simm.s32 $0x9;
	_ =	strace $0x80000048  }
0xb5: {  	_ =	swait.ge [sflag:s29], $0x1  }
0xb6: {  	[sflag:s29] =	ssyncadd.s32 $0xFFFFFFFF  }
0xb7: {  	_ =	strace $0x90000048  }
0xb8: {  	_ =	sfence  }
0xb9: {  	s30 =	sld [smem:$0x0];
	_ =	sdelay $0x2  }
0xba: {  	s31 =	sshll.u32 s1, $0xD;
	s1 =	sshrl.u32 s1, $0x2  }
0xbb: {  	s3 =	sand.u32 $0x4000, s31;
	s1 =	sadd.s32 s1, s30  }
0xbc: {  	s0 =	sor.u32 s3, s0;
	s1 =	sshll.u32 s1, $0x11  }
0xbd: {  	s0 =	sor.u32 s1, s0  }
0xbe: {  	s0 =	sadd.s32 $0x8F2B, s0  }
0xbf: {  	[sflag:s0] =	ssyncadd.remote.s32 $0x1  }
0xc0: {  	_ =	sfence.sel $0xFFFF  }
0xc1: {  	[dreg:$0x0] =	wrdreg $0xFFFFFFFF;
	(pc) =	sbr.abs _section_cstart, $3  }
0xc2: {  	[dreg:$0x1] =	wrdreg $0xFFFFFFFF  }
0xc3: {  	_ =	task.clear_ibuf [dreg:s8], $0x2FFFF;
	_ =	strace $0x9FFFFFFF  }
0xc4: {  	(tm) =	ssettm $0x7FFFFFFF  }
0xc5: {  	_ =	shalt  }
tec
execute0_lowered:
.L_overlay_start_1:
0x0: {  	(tag) =	ssettag $0x1  }
0x1: {  	s0 =	rddreg [dreg:$0x0]  }
0x2: {  	s2 =	rddreg [dreg:$0x1]  }
0x3: {  	s3 =	rddreg [dreg:$0x2];
	s1 =	simm.s32 $0x0  }
0x4: {  	s4 =	srdreg.scid;
	s7 =	stileid.u32;
	s12 =	simm.s32 $0x3300  }
0x5: {  	s13 =	simm.s32 $0x3B00;
	s14 =	simm.s32 $0x1;
	s15 =	simm.s32 $0x800  }
0x6: {  	s16 =	simm.s32 $0x320000;
	s17 =	simm.s32 $0x4300;
	s18 =	simm.s32 $0x2  }
0x7: {  	s19 =	simm.s32 $0x4;
	s20 =	simm.s32 $0xAB00;
	[smem:$0x7FF] =	sst s1  }
0x8: {  	s4 =	sand.u32 $0x1, s4;
	s7 =	sshll.u32 s7, $0xA;
	s2 =	sadd.s32 $0x400, s2  }
0x9: {  	s9 =	sadd.s32 $0x4000, s0;
	_ =	strace $0x80000047;
	s5 =	ssub.s32 $0x2, s4  }
0xa: {  	s4 =	sshll.u32 s4, $0x9;
	[dreg:$0x4] =	wrdreg s2;
	s2 =	simm.s32 $0x0  }
.Ltmp0:
0xb: {  	s6 =	sshrl.u32 s5, $0x1;
	s4 =	sor.u32 s4, s7;
	(pc) =	sbr.rel .LBB2_1-.Ltmp0, $4  }
0xc: {  	s28 =	ssub.s32 s5, s6;
	s29 =	sadd.s32 s0, s4;
	s30 =	sor.u32 $0x100, s4  }
0xd: {  	s6 =	sadd.s32 s3, s4;
	[dreg:$0x5] =	wrdreg s29;
	s0 =	sadd.s32 s0, s30  }
0xe: {  	s7 =	sadd.s32 s4, s9;
	s31 =	smax.u32 s28, $0x1;
	[dreg:$0x6] =	wrdreg s0  }
0xf: {  	s8 =	sadd.s32 s3, s30;
	s9 =	sadd.s32 s30, s9;
	[dreg:$0x7] =	wrdreg s31  }
.LBB2_12:
0x10: {  	s0 =	simm.s32 $0x3  }
0x11: {  	_ =	swait.ge [sflag:s0], $0x6800  }
0x12: {  	[sflag:s0] =	ssyncset.done $0x0  }
0x13: {  	[sflag:s0] =	ssyncadd.s32 $0xFFFF9800  }
0x14: {  	_ =	swait.ge [sflag:s19], $0x6800  }
0x15: {  	s2 =	rddreg [dreg:$0x8]  }
0x16: {  	s31 =	rddreg [dreg:$0x7];
	s2 =	sadd.s32 $0x1, s2  }
0x17: {  	p0 =	sne.s32 s2, s31  }
.Ltmp1:
0x18: {  	_ = 	snop;
	(pc) =	sbr.rel @!p0 .LBB2_13-.Ltmp1, $3  }
0x19: {  	_ =	sdelay $0x1  }
0x1a: {  	[sflag:s19] =	ssyncset.done $0x0  }
0x1b: {  	[sflag:s19] =	ssyncadd.s32 $0xFFFF9800  }
.LBB2_1:
0x1c: {  	[dreg:$0x8] =	wrdreg s2  }
0x1d: {  	s0 =	rddreg [dreg:$0x4];
	s29 =	simm.s32 $0x5  }
0x1e: {  	[tilespmem:s1], [sflag:$0x5] =	stream.linear.gather [hbm4b:s0+s1], $0x3300, $0x38;
	[tilespmem:$0x11300] =	vst v63  }
0x1f: {  	_ =	swait.ge [sflag:s29], $0x3300  }
0x20: {  	[sflag:s29] =	ssyncset.done $0x0  }
0x21: {  	s30 =	rddreg [dreg:$0x5];
	[sflag:s29] =	ssyncadd.s32 $0xFFFFCD00  }
0x22: {  	[tilespmem:s12], [sflag:$0x1] =	stream.linear.gather [hbm4b:s30+s1], $0x800, $0x38;
	[tilespmem:$0x11300] =	vst v63  }
0x23: {  	s23 =	simm.s32 $0x0;
	s31 =	rddreg [dreg:$0x6]  }
0x24: {  	[tilespmem:s13], [sflag:$0x2] =	stream.linear.gather [hbm4b:s31+s1], $0x800, $0x38;
	[tilespmem:$0x11300] =	vst v63  }
.LBB2_2:
0x25: {  	_ =	swait.ge [sflag:s14], $0x800  }
0x26: {  	p0 =	seq.s32 s23, $0x0;
	[sflag:s14] =	ssyncset.done $0x0  }
0x27: {  	s2 =	simm.s32 $0x0;
	s0 =	simm.s32 @!p0 $0x3;
	[sflag:s14] =	ssyncadd.s32 $0xFFFFF800  }
0x28: {  	s3 =	sand.u32 $0x400, s2;
	s4 =	sand.u32 $0x380, s2;
	_ =	swait.ge @!p0 [sflag:s0], $0x6800  }
0x29: {  	s2 =	sand.u32 $0x70, s2;
	s3 =	sor.u32 s4, s3;
	[sflag:s0] =	ssyncset.done @!p0 $0x0  }
0x2a: {  	s29 =	sor.u32 s2, s3;
	[sflag:s0] =	ssyncadd.s32 @!p0 $0xFFFF9800  }
0x2b: {  	v0 =	vld [tilespmem:s29+$0x3300];
	_ =	sdelay $0x4  }
0x2c: {  	v6 =	vmul.u32 $0xD, v0  }
0x2d: {  	s26 =	simm.s32 $0x8;
	s3 =	simm.s32 $0x80  }
0x2e: {  	s4 =	simm.s32 $0x10;
	s2 =	sand.u32 $0x400, s3;
	s0 =	sand.u32 $0x380, s26  }
0x2f: {  	s3 =	sand.u32 $0x70, s4;
	s0 =	sor.u32 s0, s2  }
0x30: {  	s25 =	sor.u32 s3, s0  }
0x31: {  	v0 =	vld [tilespmem:s25+$0x3300]  }
0x32: {  	v1 =	vld.idx.msk [tilespmem:v6+s1+$0x0], $0xffff  }
0x33: {  	v2 =	vadd.s32 $0x1, v6;
	_ =	sdelay $0x3  }
0x34: {  	[tilespmem:s29+$0x4300] =	vst v1;
	v1 =	vmul.u32 $0xD, v0  }
0x35: {  	s5 =	simm.s32 $0x10;
	s10 =	simm.s32 $0x100;
	v0 =	vld.idx.msk [tilespmem:v2+s1+$0x0], $0xffff  }
0x36: {  	s11 =	simm.s32 $0x20;
	s2 =	sand.u32 $0x400, s10;
	s0 =	sand.u32 $0x380, s5;
	v2 =	vadd.s32 $0x2, v6  }
0x37: {  	s3 =	sand.u32 $0x70, s11;
	s0 =	sor.u32 s0, s2  }
0x38: {  	s24 =	sor.u32 s3, s0  }
0x39: {  	v3 =	vld [tilespmem:s24+$0x3300]  }
0x3a: {  	[tilespmem:s29+$0x4B00] =	vst v0;
	v0 =	vld.idx.msk [tilespmem:v1+s1+$0x0], $0xffff  }
0x3b: {  	v4 =	vadd.s32 $0x1, v1;
	v2 =	vld.idx.msk [tilespmem:v2+s1+$0x0], $0xffff  }
0x3c: {  	v5 =	vadd.s32 $0x3, v6;
	_ =	sdelay $0x2  }
0x3d: {  	[tilespmem:s25+$0x4300] =	vst v0;
	v0 =	vmul.u32 $0xD, v3  }
0x3e: {  	s21 =	simm.s32 $0x18;
	s22 =	simm.s32 $0x180;
	v3 =	vld.idx.msk [tilespmem:v4+s1+$0x0], $0xffff;
	[tilespmem:s29+$0x5300] =	vst v2  }
0x3f: {  	s26 =	simm.s32 $0x30;
	s2 =	sand.u32 $0x400, s22;
	s0 =	sand.u32 $0x380, s21;
	v4 =	vadd.s32 $0x2, v1;
	v2 =	vld.idx.msk [tilespmem:v5+s1+$0x0], $0xffff  }
0x40: {  	s3 =	sand.u32 $0x70, s26;
	s0 =	sor.u32 s0, s2;
	v5 =	vadd.s32 $0x4, v6  }
0x41: {  	s26 =	sor.u32 s3, s0  }
0x42: {  	v7 =	vld [tilespmem:s26+$0x3300]  }
0x43: {  	[tilespmem:s25+$0x4B00] =	vst v3;
	v3 =	vld.idx.msk [tilespmem:v0+s1+$0x0], $0xffff  }
0x44: {  	v8 =	vadd.s32 $0x1, v0;
	[tilespmem:s29+$0x5B00] =	vst v2;
	v4 =	vld.idx.msk [tilespmem:v4+s1+$0x0], $0xffff  }
0x45: {  	v9 =	vadd.s32 $0x3, v1;
	v5 =	vld.idx.msk [tilespmem:v5+s1+$0x0], $0xffff  }
0x46: {  	v10 =	vadd.s32 $0x5, v6;
	_ =	sdelay $0x1  }
0x47: {  	v2 =	vmul.u32 $0xD, v7;
	[tilespmem:s24+$0x4300] =	vst v3  }
0x48: {  	s4 =	simm.s32 $0x20;
	s5 =	simm.s32 $0x200;
	v3 =	vld.idx.msk [tilespmem:v8+s1+$0x0], $0xffff;
	[tilespmem:s25+$0x5300] =	vst v4  }
0x49: {  	s10 =	simm.s32 $0x40;
	s2 =	sand.u32 $0x400, s5;
	s0 =	sand.u32 $0x380, s4;
	v4 =	vld.idx.msk [tilespmem:v9+s1+$0x0], $0xffff;
	[tilespmem:s29+$0x6300] =	vst v5;
	v5 =	vadd.s32 $0x2, v0  }
0x4a: {  	s3 =	sand.u32 $0x70, s10;
	s0 =	sor.u32 s0, s2;
	v8 =	vadd.s32 $0x4, v1;
	v7 =	vld.idx.msk [tilespmem:v10+s1+$0x0], $0xffff  }
0x4b: {  	s28 =	sor.u32 s3, s0;
	v9 =	vadd.s32 $0x6, v6  }
0x4c: {  	v10 =	vld [tilespmem:s28+$0x3300]  }
0x4d: {  	[tilespmem:s24+$0x4B00] =	vst v3;
	v3 =	vld.idx.msk [tilespmem:v2+s1+$0x0], $0xffff  }
0x4e: {  	[tilespmem:s25+$0x5B00] =	vst v4;
	v4 =	vld.idx.msk [tilespmem:v5+s1+$0x0], $0xffff;
	v5 =	vadd.s32 $0x1, v2  }
0x4f: {  	[tilespmem:s29+$0x6B00] =	vst v7;
	v7 =	vld.idx.msk [tilespmem:v8+s1+$0x0], $0xffff;
	v8 =	vadd.s32 $0x3, v0  }
0x50: {  	v11 =	vadd.s32 $0x5, v1;
	v9 =	vld.idx.msk [tilespmem:v9+s1+$0x0], $0xffff  }
0x51: {  	v12 =	vadd.s32 $0x7, v6  }
0x52: {  	[tilespmem:s26+$0x4300] =	vst v3;
	v3 =	vmul.u32 $0xD, v10  }
0x53: {  	s11 =	simm.s32 $0x28;
	s21 =	simm.s32 $0x280;
	v5 =	vld.idx.msk [tilespmem:v5+s1+$0x0], $0xffff;
	[tilespmem:s24+$0x5300] =	vst v4  }
0x54: {  	s22 =	simm.s32 $0x50;
	s2 =	sand.u32 $0x400, s21;
	s0 =	sand.u32 $0x380, s11;
	v4 =	vld.idx.msk [tilespmem:v8+s1+$0x0], $0xffff;
	[tilespmem:s25+$0x6300] =	vst v7;
	v7 =	vadd.s32 $0x2, v2  }
0x55: {  	s3 =	sand.u32 $0x70, s22;
	s0 =	sor.u32 s0, s2;
	v8 =	vld.idx.msk [tilespmem:v11+s1+$0x0], $0xffff;
	[tilespmem:s29+$0x7300] =	vst v9;
	v9 =	vadd.s32 $0x4, v0  }
0x56: {  	s30 =	sor.u32 s3, s0;
	v11 =	vadd.s32 $0x6, v1;
	v10 =	vld.idx.msk [tilespmem:v12+s1+$0x0], $0xffff  }
0x57: {  	v12 =	vld [tilespmem:s30+$0x3300]  }
0x58: {  	v13 =	vadd.s32 $0x8, v6;
	[tilespmem:s26+$0x4B00] =	vst v5;
	v5 =	vld.idx.msk [tilespmem:v3+s1+$0x0], $0xffff  }
0x59: {  	[tilespmem:s24+$0x5B00] =	vst v4;
	v4 =	vld.idx.msk [tilespmem:v7+s1+$0x0], $0xffff;
	v7 =	vadd.s32 $0x1, v3  }
0x5a: {  	[tilespmem:s25+$0x6B00] =	vst v8;
	v8 =	vld.idx.msk [tilespmem:v9+s1+$0x0], $0xffff;
	v9 =	vadd.s32 $0x3, v2  }
0x5b: {  	[tilespmem:s29+$0x7B00] =	vst v10;
	v10 =	vld.idx.msk [tilespmem:v11+s1+$0x0], $0xffff;
	v11 =	vadd.s32 $0x5, v0  }
0x5c: {  	v14 =	vadd.s32 $0x7, v1  }
0x5d: {  	v13 =	vld.idx.msk [tilespmem:v13+s1+$0x0], $0xffff;
	[tilespmem:s28+$0x4300] =	vst v5  }
0x5e: {  	s5 =	simm.s32 $0x300;
	s4 =	simm.s32 $0x30;
	v5 =	vadd.s32 $0x9, v6;
	v7 =	vld.idx.msk [tilespmem:v7+s1+$0x0], $0xffff;
	[tilespmem:s26+$0x5300] =	vst v4;
	v4 =	vmul.u32 $0xD, v12  }
0x5f: {  	s10 =	simm.s32 $0x60;
	s2 =	sand.u32 $0x400, s5;
	s0 =	sand.u32 $0x380, s4;
	v9 =	vld.idx.msk [tilespmem:v9+s1+$0x0], $0xffff;
	[tilespmem:s24+$0x6300] =	vst v8  }
0x60: {  	s3 =	sand.u32 $0x70, s10;
	s0 =	sor.u32 s0, s2;
	v8 =	vld.idx.msk [tilespmem:v11+s1+$0x0], $0xffff;
	[tilespmem:s25+$0x7300] =	vst v10;
	v10 =	vadd.s32 $0x2, v3  }
0x61: {  	s31 =	sor.u32 s3, s0;
	v12 =	vadd.s32 $0x4, v2;
	v11 =	vld.idx.msk [tilespmem:v14+s1+$0x0], $0xffff  }
0x62: {  	[tilespmem:s29+$0x8300] =	vst v13;
	v13 =	vadd.s32 $0x6, v0;
	v14 =	vld [tilespmem:s31+$0x3300]  }
0x63: {  	v15 =	vadd.s32 $0x8, v1;
	v5 =	vld.idx.msk [tilespmem:v5+s1+$0x0], $0xffff  }
0x64: {  	v16 =	vadd.s32 $0xA, v6;
	[tilespmem:s28+$0x4B00] =	vst v7;
	v7 =	vld.idx.msk [tilespmem:v4+s1+$0x0], $0xffff  }
0x65: {  	[tilespmem:s26+$0x5B00] =	vst v9;
	v9 =	vld.idx.msk [tilespmem:v10+s1+$0x0], $0xffff;
	v10 =	vadd.s32 $0x1, v4  }
0x66: {  	[tilespmem:s24+$0x6B00] =	vst v8;
	v8 =	vld.idx.msk [tilespmem:v12+s1+$0x0], $0xffff;
	v12 =	vadd.s32 $0x3, v3  }
0x67: {  	[tilespmem:s25+$0x7B00] =	vst v11;
	v11 =	vld.idx.msk [tilespmem:v13+s1+$0x0], $0xffff;
	v13 =	vadd.s32 $0x5, v2  }
0x68: {  	[tilespmem:s29+$0x8B00] =	vst v5;
	v15 =	vld.idx.msk [tilespmem:v15+s1+$0x0], $0xffff  }
0x69: {  	s21 =	simm.s32 $0x380;
	s11 =	simm.s32 $0x38;
	v17 =	vadd.s32 $0x7, v0;
	v5 =	vmul.u32 $0xD, v14;
	v16 =	vld.idx.msk [tilespmem:v16+s1+$0x0], $0xffff;
	[tilespmem:s30+$0x4300] =	vst v7  }
0x6a: {  	s22 =	simm.s32 $0x70;
	s2 =	sand.u32 $0x400, s21;
	s0 =	sand.u32 $0x380, s11;
	v10 =	vld.idx.msk [tilespmem:v10+s1+$0x0], $0xffff;
	[tilespmem:s28+$0x5300] =	vst v9  }
0x6b: {  	s3 =	sand.u32 $0x70, s22;
	s0 =	sor.u32 s0, s2;
	v7 =	vadd.s32 $0x9, v1;
	[tilespmem:s26+$0x6300] =	vst v8;
	v14 =	vld.idx.msk [tilespmem:v12+s1+$0x0], $0xffff  }
0x6c: {  	s0 =	sor.u32 s3, s0;
	v9 =	vadd.s32 $0xB, v6;
	v8 =	vld.idx.msk [tilespmem:v13+s1+$0x0], $0xffff  }
0x6d: {  	[tilespmem:s24+$0x7300] =	vst v11;
	v11 =	vadd.s32 $0x2, v4;
	v12 =	vld [tilespmem:s0+$0x3300]  }
0x6e: {  	v13 =	vld.idx.msk [tilespmem:v17+s1+$0x0], $0xffff;
	[tilespmem:s25+$0x8300] =	vst v15;
	v15 =	vadd.s32 $0x4, v3  }
0x6f: {  	[tilespmem:s29+$0x9300] =	vst v16;
	v16 =	vadd.s32 $0x8, v0;
	v24 =	vld.idx.msk [tilespmem:v5+s1+$0x0], $0xffff  }
0x70: {  	v17 =	vld.idx.msk [tilespmem:v7+s1+$0x0], $0xffff;
	v7 =	vadd.s32 $0x6, v2  }
0x71: {  	v21 =	vadd.s32 $0xA, v1;
	v18 =	vld.idx.msk [tilespmem:v9+s1+$0x0], $0xffff;
	[tilespmem:s30+$0x4B00] =	vst v10  }
0x72: {  	v25 =	vadd.s32 $0xC, v6;
	[tilespmem:s28+$0x5B00] =	vst v14;
	v20 =	vld.idx.msk [tilespmem:v11+s1+$0x0], $0xffff  }
0x73: {  	v19 =	vld.idx.msk [tilespmem:v15+s1+$0x0], $0xffff;
	[tilespmem:s24+$0x7B00] =	vst v13  }
0x74: {  	v22 =	vadd.s32 $0x3, v4;
	v23 =	vadd.s32 $0x1, v5;
	[tilespmem:s26+$0x6B00] =	vst v8;
	v16 =	vld.idx.msk [tilespmem:v16+s1+$0x0], $0xffff  }
0x75: {  	v6 =	vadd.s32 $0xB, v5;
	v9 =	vadd.s32 $0xB, v2;
	v10 =	vadd.s32 $0xB, v4;
	v15 =	vld.idx.msk [tilespmem:v7+s1+$0x0], $0xffff;
	[tilespmem:s25+$0x8B00] =	vst v17  }
0x76: {  	v11 =	vadd.s32 $0xB, v1;
	v8 =	vadd.s32 $0xB, v0;
	v13 =	vld.idx.msk [tilespmem:v21+s1+$0x0], $0xffff;
	[tilespmem:s29+$0x9B00] =	vst v18;
	v21 =	vadd.s32 $0x5, v3  }
0x77: {  	s5 =	simm.s32 $0x40;
	s2 =	simm.s32 $0x80;
	s3 =	simm.s32 $0x400;
	v14 =	vadd.s32 $0x7, v2;
	[tilespmem:s31+$0x4300] =	vst v24;
	v7 =	vadd.s32 $0xB, v3;
	v18 =	vadd.s32 $0x9, v0;
	v17 =	vld.idx.msk [tilespmem:v25+s1+$0x0], $0xffff  }
.LBB2_3:
0x78: {  	s4 =	smov.u32 s5  }
0x79: {  	s10 =	sand.u32 $0x400, s3;
	s11 =	sand.u32 $0x380, s5;
	v23 =	vld.idx.msk [tilespmem:v23+s1+$0x0], $0xffff;
	[tilespmem:s30+$0x5300] =	vst v20;
	s4 =	sadd.s32 $0x8, s5  }
0x7a: {  	s21 =	sand.u32 $0x70, s2;
	p1 =	sne.s32 s5, $0x3F8;
	v24 =	vmul.u32 $0xD, v12;
	s10 =	sor.u32 s11, s10;
	v20 =	vld.idx.msk [tilespmem:v22+s1+$0x0], $0xffff;
	[tilespmem:s28+$0x6300] =	vst v19  }
0x7b: {  	s5 =	sor.u32 s21, s10;
	v19 =	vld.idx.msk [tilespmem:v21+s1+$0x0], $0xffff;
	[tilespmem:s26+$0x7300] =	vst v15  }
0x7c: {  	v15 =	vadd.s32 $0xB, v24;
	v21 =	vadd.s32 $0x2, v5;
	v14 =	vld.idx.msk [tilespmem:v14+s1+$0x0], $0xffff;
	[tilespmem:s24+$0x8300] =	vst v16  }
0x7d: {  	v16 =	vadd.s32 $0x4, v4;
	v18 =	vld.idx.msk [tilespmem:v18+s1+$0x0], $0xffff;
	[tilespmem:s25+$0x9300] =	vst v13  }
0x7e: {  	v13 =	vadd.s32 $0x6, v3;
	v12 =	vld [tilespmem:s5+$0x3300];
	[tilespmem:s29+$0xA300] =	vst v17;
	s29 =	smov.u32 s25;
	s25 =	smov.u32 s24;
	s24 =	smov.u32 s26  }
0x7f: {  	v17 =	vadd.s32 $0x8, v2;
	s26 =	smov.u32 s28;
	s28 =	smov.u32 s30;
	s30 =	smov.u32 s31;
	[tilespmem:s31+$0x4B00] =	vst v23;
	v25 =	vld.idx.msk [tilespmem:v11+s1+$0x0], $0xffff;
	v11 =	vmovc v8;
	v8 =	vmovc v9;
	v9 =	vmov v7;
	v7 =	vmov v10  }
0x80: {  	v27 =	vadd.s32 $0xA, v0;
	v28 =	vadd.s32 $0xC, v1;
	v1 =	vmovc v0;
	v0 =	vmovc v2;
	v2 =	vmov v3;
	s31 =	smov.u32 s0;
	s0 =	smov.u32 s5;
	v26 =	vld.idx.msk [tilespmem:v24+s1+$0x0], $0xffff;
	[tilespmem:s28+$0x5B00] =	vst v20  }
0x81: {  	v3 =	vmovc v4;
	v4 =	vmovc v5;
	v5 =	vmov v24;
	v10 =	vmov v6;
	v6 =	vmov v15;
	v20 =	vld.idx.msk [tilespmem:v21+s1+$0x0], $0xffff;
	[tilespmem:s26+$0x6B00] =	vst v19  }
.Ltmp2:
0x82: {  	v23 =	vadd.s32 $0x1, v5;
	v19 =	vld.idx.msk [tilespmem:v16+s1+$0x0], $0xffff;
	[tilespmem:s24+$0x7B00] =	vst v14;
	(pc) =	sbr.rel @p1 .LBB2_3-.Ltmp2, $4  }
0x83: {  	v22 =	vadd.s32 $0x3, v4;
	v15 =	vld.idx.msk [tilespmem:v13+s1+$0x0], $0xffff;
	[tilespmem:s25+$0x8B00] =	vst v18  }
0x84: {  	v21 =	vadd.s32 $0x5, v3;
	v16 =	vld.idx.msk [tilespmem:v17+s1+$0x0], $0xffff  }
0x85: {  	v14 =	vadd.s32 $0x7, v2;
	v13 =	vld.idx.msk [tilespmem:v27+s1+$0x0], $0xffff;
	[tilespmem:s29+$0x9B00] =	vst v25  }
0x86: {  	s2 =	sadd.s32 $0x10, s2;
	s3 =	sadd.s32 $0x80, s3;
	s5 =	smov.u32 s4;
	v18 =	vadd.s32 $0x9, v0;
	[tilespmem:s31+$0x4300] =	vst v26;
	v17 =	vld.idx.msk [tilespmem:v28+s1+$0x0], $0xffff  }
0x87: {  	v12 =	vmul.u32 $0xD, v12;
	_ =	sdelay $0x5  }
0x88: {  	v24 =	vld.idx.msk [tilespmem:v12+s1+$0x0], $0xffff  }
0x89: {  	v25 =	vadd.s32 $0x1, v12;
	_ =	sdelay $0x3  }
0x8a: {  	v23 =	vld.idx.msk [tilespmem:v23+s1+$0x0], $0xffff;
	[tilespmem:s0+$0x4300] =	vst v24  }
0x8b: {  	v53 =	vadd.s32 $0x2, v5;
	v25 =	vld.idx.msk [tilespmem:v25+s1+$0x0], $0xffff  }
0x8c: {  	v26 =	vadd.s32 $0x2, v12;
	_ =	sdelay $0x2  }
0x8d: {  	[tilespmem:s31+$0x4B00] =	vst v23  }
0x8e: {  	v23 =	vld.idx.msk [tilespmem:v53+s1+$0x0], $0xffff;
	[tilespmem:s0+$0x4B00] =	vst v25  }
0x8f: {  	v54 =	vadd.s32 $0x3, v5;
	v25 =	vld.idx.msk [tilespmem:v26+s1+$0x0], $0xffff  }
0x90: {  	v55 =	vadd.s32 $0x3, v12;
	_ =	sdelay $0x1  }
0x91: {  	[tilespmem:s30+$0x5300] =	vst v20  }
0x92: {  	v20 =	vld.idx.msk [tilespmem:v22+s1+$0x0], $0xffff;
	[tilespmem:s31+$0x5300] =	vst v23  }
0x93: {  	v56 =	vadd.s32 $0x4, v4;
	v23 =	vld.idx.msk [tilespmem:v54+s1+$0x0], $0xffff;
	[tilespmem:s0+$0x5300] =	vst v25  }
0x94: {  	v57 =	vadd.s32 $0x4, v5;
	v25 =	vld.idx.msk [tilespmem:v55+s1+$0x0], $0xffff  }
0x95: {  	v58 =	vadd.s32 $0x4, v12;
	_ =	sdelay $0x1  }
0x96: {  	[tilespmem:s30+$0x5B00] =	vst v20  }
0x97: {  	v20 =	vld.idx.msk [tilespmem:v56+s1+$0x0], $0xffff;
	[tilespmem:s31+$0x5B00] =	vst v23  }
0x98: {  	v59 =	vadd.s32 $0x5, v4;
	v23 =	vld.idx.msk [tilespmem:v57+s1+$0x0], $0xffff;
	[tilespmem:s0+$0x5B00] =	vst v25  }
0x99: {  	v60 =	vadd.s32 $0x5, v5;
	v25 =	vld.idx.msk [tilespmem:v58+s1+$0x0], $0xffff  }
0x9a: {  	v61 =	vadd.s32 $0x5, v12  }
0x9b: {  	[tilespmem:s28+$0x6300] =	vst v19  }
0x9c: {  	v19 =	vld.idx.msk [tilespmem:v21+s1+$0x0], $0xffff;
	[tilespmem:s30+$0x6300] =	vst v20  }
0x9d: {  	v62 =	vadd.s32 $0x6, v3;
	v63 =	vld.idx.msk [tilespmem:v59+s1+$0x0], $0xffff;
	[tilespmem:s31+$0x6300] =	vst v23  }
0x9e: {  	v28 =	vadd.s32 $0x6, v4;
	v23 =	vld.idx.msk [tilespmem:v60+s1+$0x0], $0xffff;
	[tilespmem:s0+$0x6300] =	vst v25  }
0x9f: {  	v29 =	vadd.s32 $0x6, v5;
	[tilespmem:s26+$0x7300] =	vst v15;
	v30 =	vld.idx.msk [tilespmem:v61+s1+$0x0], $0xffff  }
0xa0: {  	[tilespmem:s24+$0x8300] =	vst v16;
	v31 =	vadd.s32 $0x6, v12  }
0xa1: {  	[tilespmem:s28+$0x6B00] =	vst v19  }
0xa2: {  	v19 =	vld.idx.msk [tilespmem:v62+s1+$0x0], $0xffff;
	[tilespmem:s30+$0x6B00] =	vst v63  }
0xa3: {  	v32 =	vadd.s32 $0x7, v3;
	v21 =	vld.idx.msk [tilespmem:v28+s1+$0x0], $0xffff;
	[tilespmem:s31+$0x6B00] =	vst v23  }
0xa4: {  	v33 =	vadd.s32 $0x7, v4;
	v15 =	vld.idx.msk [tilespmem:v29+s1+$0x0], $0xffff;
	[tilespmem:s0+$0x6B00] =	vst v30  }
0xa5: {  	v34 =	vadd.s32 $0x7, v5;
	[tilespmem:s25+$0x9300] =	vst v13;
	v16 =	vld.idx.msk [tilespmem:v31+s1+$0x0], $0xffff  }
0xa6: {  	v14 =	vld.idx.msk [tilespmem:v14+s1+$0x0], $0xffff;
	v35 =	vadd.s32 $0x7, v12;
	[tilespmem:s29+$0xA300] =	vst v17  }
0xa7: {  	v18 =	vld.idx.msk [tilespmem:v18+s1+$0x0], $0xffff;
	[tilespmem:s28+$0x7300] =	vst v19  }
0xa8: {  	v36 =	vadd.s32 $0x8, v2;
	v20 =	vld.idx.msk [tilespmem:v32+s1+$0x0], $0xffff;
	[tilespmem:s30+$0x7300] =	vst v21  }
0xa9: {  	v37 =	vadd.s32 $0x8, v3;
	v22 =	vld.idx.msk [tilespmem:v33+s1+$0x0], $0xffff;
	[tilespmem:s31+$0x7300] =	vst v15  }
0xaa: {  	v38 =	vadd.s32 $0x8, v4;
	v13 =	vld.idx.msk [tilespmem:v34+s1+$0x0], $0xffff;
	[tilespmem:s0+$0x7300] =	vst v16  }
0xab: {  	v39 =	vadd.s32 $0x8, v5;
	[tilespmem:s26+$0x7B00] =	vst v14;
	v16 =	vld.idx.msk [tilespmem:v35+s1+$0x0], $0xffff  }
0xac: {  	v40 =	vadd.s32 $0x8, v12;
	v11 =	vld.idx.msk [tilespmem:v11+s1+$0x0], $0xffff;
	[tilespmem:s24+$0x8B00] =	vst v18  }
0xad: {  	v41 =	vadd.s32 $0xA, v0;
	v19 =	vld.idx.msk [tilespmem:v36+s1+$0x0], $0xffff;
	[tilespmem:s28+$0x7B00] =	vst v20  }
0xae: {  	v42 =	vadd.s32 $0x9, v2;
	v21 =	vld.idx.msk [tilespmem:v37+s1+$0x0], $0xffff;
	[tilespmem:s30+$0x7B00] =	vst v22  }
0xaf: {  	v43 =	vadd.s32 $0x9, v3;
	v15 =	vld.idx.msk [tilespmem:v38+s1+$0x0], $0xffff;
	[tilespmem:s31+$0x7B00] =	vst v13  }
0xb0: {  	v44 =	vadd.s32 $0x9, v4;
	v14 =	vld.idx.msk [tilespmem:v39+s1+$0x0], $0xffff;
	[tilespmem:s0+$0x7B00] =	vst v16  }
0xb1: {  	v45 =	vadd.s32 $0x9, v5;
	[tilespmem:s25+$0x9B00] =	vst v11;
	v16 =	vld.idx.msk [tilespmem:v40+s1+$0x0], $0xffff  }
0xb2: {  	v47 =	vadd.s32 $0x9, v12;
	v46 =	vld.idx.msk [tilespmem:v41+s1+$0x0], $0xffff;
	[tilespmem:s26+$0x8300] =	vst v19  }
0xb3: {  	v1 =	vadd.s32 $0xC, v1;
	v19 =	vld.idx.msk [tilespmem:v42+s1+$0x0], $0xffff;
	[tilespmem:s28+$0x8300] =	vst v21  }
0xb4: {  	v48 =	vadd.s32 $0xA, v2;
	v21 =	vld.idx.msk [tilespmem:v43+s1+$0x0], $0xffff;
	[tilespmem:s30+$0x8300] =	vst v15  }
0xb5: {  	v49 =	vadd.s32 $0xA, v3;
	v13 =	vld.idx.msk [tilespmem:v44+s1+$0x0], $0xffff;
	[tilespmem:s31+$0x8300] =	vst v14  }
0xb6: {  	v50 =	vadd.s32 $0xA, v4;
	v11 =	vld.idx.msk [tilespmem:v45+s1+$0x0], $0xffff;
	[tilespmem:s0+$0x8300] =	vst v16  }
0xb7: {  	v51 =	vadd.s32 $0xA, v5;
	[tilespmem:s24+$0x9300] =	vst v46;
	v52 =	vld.idx.msk [tilespmem:v47+s1+$0x0], $0xffff  }
0xb8: {  	v53 =	vadd.s32 $0xA, v12;
	v1 =	vld.idx.msk [tilespmem:v1+s1+$0x0], $0xffff;
	[tilespmem:s26+$0x8B00] =	vst v19  }
0xb9: {  	v19 =	vld.idx.msk [tilespmem:v48+s1+$0x0], $0xffff;
	[tilespmem:s28+$0x8B00] =	vst v21  }
0xba: {  	v15 =	vld.idx.msk [tilespmem:v49+s1+$0x0], $0xffff;
	[tilespmem:s30+$0x8B00] =	vst v13  }
0xbb: {  	v13 =	vld.idx.msk [tilespmem:v50+s1+$0x0], $0xffff;
	[tilespmem:s31+$0x8B00] =	vst v11  }
0xbc: {  	v11 =	vld.idx.msk [tilespmem:v51+s1+$0x0], $0xffff;
	[tilespmem:s0+$0x8B00] =	vst v52  }
0xbd: {  	[tilespmem:s25+$0xA300] =	vst v1;
	v54 =	vld.idx.msk [tilespmem:v53+s1+$0x0], $0xffff  }
0xbe: {  	v8 =	vld.idx.msk [tilespmem:v8+s1+$0x0], $0xffff;
	v55 =	vadd.s32 $0xB, v12;
	[tilespmem:s26+$0x9300] =	vst v19  }
0xbf: {  	v56 =	vadd.s32 $0xC, v0;
	v9 =	vld.idx.msk [tilespmem:v9+s1+$0x0], $0xffff;
	[tilespmem:s28+$0x9300] =	vst v15  }
0xc0: {  	v57 =	vadd.s32 $0xC, v2;
	v7 =	vld.idx.msk [tilespmem:v7+s1+$0x0], $0xffff;
	[tilespmem:s30+$0x9300] =	vst v13  }
0xc1: {  	v58 =	vadd.s32 $0xC, v3;
	v10 =	vld.idx.msk [tilespmem:v10+s1+$0x0], $0xffff;
	[tilespmem:s31+$0x9300] =	vst v11  }
0xc2: {  	v59 =	vadd.s32 $0xC, v4;
	v6 =	vld.idx.msk [tilespmem:v6+s1+$0x0], $0xffff;
	[tilespmem:s0+$0x9300] =	vst v54  }
0xc3: {  	[tilespmem:s24+$0x9B00] =	vst v8;
	v60 =	vadd.s32 $0xC, v5;
	v61 =	vld.idx.msk [tilespmem:v55+s1+$0x0], $0xffff  }
0xc4: {  	v62 =	vadd.s32 $0xC, v12;
	v0 =	vld.idx.msk [tilespmem:v56+s1+$0x0], $0xffff;
	[tilespmem:s26+$0x9B00] =	vst v9  }
0xc5: {  	v2 =	vld.idx.msk [tilespmem:v57+s1+$0x0], $0xffff;
	[tilespmem:s28+$0x9B00] =	vst v7  }
0xc6: {  	v3 =	vld.idx.msk [tilespmem:v58+s1+$0x0], $0xffff;
	[tilespmem:s30+$0x9B00] =	vst v10  }
0xc7: {  	v4 =	vld.idx.msk [tilespmem:v59+s1+$0x0], $0xffff;
	[tilespmem:s31+$0x9B00] =	vst v6  }
0xc8: {  	v1 =	vld.idx.msk [tilespmem:v60+s1+$0x0], $0xffff;
	[tilespmem:s0+$0x9B00] =	vst v61  }
0xc9: {  	[tilespmem:s24+$0xA300] =	vst v0;
	v63 =	vld.idx.msk [tilespmem:v62+s1+$0x0], $0xffff  }
0xca: {  	p1 =	sne.s32 s23, $0x18;
	[tilespmem:s26+$0xA300] =	vst v2  }
.Ltmp3:
0xcb: {  	[tilespmem:s28+$0xA300] =	vst v3;
	(pc) =	sbr.rel @p1 .LBB2_6-.Ltmp3, $4  }
0xcc: {  	[tilespmem:s30+$0xA300] =	vst v4  }
0xcd: {  	s24 =	sshll.u32 s23, $0xE;
	[tilespmem:s31+$0xA300] =	vst v1  }
0xce: {  	s31 =	sadd.s32 s24, s6;
	[tilespmem:s0+$0xA300] =	vst v63  }
0xcf: {  	[hbm4b:s31+s15] =	stream.strided.scatter [tilespmem:s17], [sflag:$0x3], $0x6800, s16, s15, $0x38;
	[tilespmem:$0x11300] =	vst v63  }
.Ltmp4:
0xd0: {  	(pc) =	sbr.rel .LBB2_7-.Ltmp4, $4  }
0xd1: {  	_ = 	snop  }
0xd2: {  	_ =	swait.ge [sflag:s18], $0x800  }
0xd3: {  	[sflag:s18] =	ssyncset.done $0x0  }
0xd4: {  	[sflag:s18] =	ssyncadd.s32 $0xFFFFF800  }
.LBB2_6:
.Ltmp5:
0xd5: {  	s0 =	sadd.s32 s24, s7;
	(pc) =	sbr.rel @p0 .LBB2_8-.Ltmp5, $4  }
0xd6: {  	[tilespmem:s12], [sflag:$0x1] =	stream.linear.gather [hbm4b:s0+s1], $0x800, $0x38;
	[tilespmem:$0x11300] =	vst v63  }
0xd7: {  	_ =	swait.ge [sflag:s18], $0x800  }
0xd8: {  	[sflag:s18] =	ssyncset.done $0x0  }
0xd9: {  	[sflag:s18] =	ssyncadd.s32 $0xFFFFF800  }
.LBB2_7:
0xda: {  	_ =	swait.ge [sflag:s19], $0x6800  }
0xdb: {  	[sflag:s19] =	ssyncset.done $0x0  }
0xdc: {  	[sflag:s19] =	ssyncadd.s32 $0xFFFF9800  }
.LBB2_8:
0xdd: {  	s0 =	simm.s32 $0x0  }
0xde: {  	s2 =	sand.u32 $0x400, s0;
	s3 =	sand.u32 $0x380, s0  }
0xdf: {  	s0 =	sand.u32 $0x70, s0;
	s2 =	sor.u32 s3, s2  }
0xe0: {  	s30 =	sor.u32 s0, s2  }
0xe1: {  	v0 =	vld [tilespmem:s30+$0x3B00];
	_ =	sdelay $0x4  }
0xe2: {  	v6 =	vmul.u32 $0xD, v0  }
0xe3: {  	s5 =	simm.s32 $0x8;
	s10 =	simm.s32 $0x80  }
0xe4: {  	s11 =	simm.s32 $0x10;
	s2 =	sand.u32 $0x400, s10;
	s0 =	sand.u32 $0x380, s5  }
0xe5: {  	s3 =	sand.u32 $0x70, s11;
	s0 =	sor.u32 s0, s2  }
0xe6: {  	s26 =	sor.u32 s3, s0  }
0xe7: {  	v0 =	vld [tilespmem:s26+$0x3B00]  }
0xe8: {  	v1 =	vld.idx.msk [tilespmem:v6+s1+$0x0], $0xffff  }
0xe9: {  	v2 =	vadd.s32 $0x1, v6;
	_ =	sdelay $0x3  }
0xea: {  	[tilespmem:s30+$0xAB00] =	vst v1;
	v1 =	vmul.u32 $0xD, v0  }
0xeb: {  	s21 =	simm.s32 $0x10;
	s22 =	simm.s32 $0x100;
	v0 =	vld.idx.msk [tilespmem:v2+s1+$0x0], $0xffff  }
0xec: {  	s25 =	simm.s32 $0x20;
	s2 =	sand.u32 $0x400, s22;
	s0 =	sand.u32 $0x380, s21;
	v2 =	vadd.s32 $0x2, v6  }
0xed: {  	s3 =	sand.u32 $0x70, s25;
	s0 =	sor.u32 s0, s2  }
0xee: {  	s25 =	sor.u32 s3, s0  }
0xef: {  	v3 =	vld [tilespmem:s25+$0x3B00]  }
0xf0: {  	[tilespmem:s30+$0xB300] =	vst v0;
	v0 =	vld.idx.msk [tilespmem:v1+s1+$0x0], $0xffff  }
0xf1: {  	v4 =	vadd.s32 $0x1, v1;
	v2 =	vld.idx.msk [tilespmem:v2+s1+$0x0], $0xffff  }
0xf2: {  	v5 =	vadd.s32 $0x3, v6;
	_ =	sdelay $0x2  }
0xf3: {  	[tilespmem:s26+$0xAB00] =	vst v0;
	v0 =	vmul.u32 $0xD, v3  }
0xf4: {  	s4 =	simm.s32 $0x180;
	s3 =	simm.s32 $0x18;
	v3 =	vld.idx.msk [tilespmem:v4+s1+$0x0], $0xffff;
	[tilespmem:s30+$0xBB00] =	vst v2  }
0xf5: {  	s5 =	simm.s32 $0x30;
	s2 =	sand.u32 $0x400, s4;
	s0 =	sand.u32 $0x380, s3;
	v4 =	vadd.s32 $0x2, v1;
	v2 =	vld.idx.msk [tilespmem:v5+s1+$0x0], $0xffff  }
0xf6: {  	s3 =	sand.u32 $0x70, s5;
	s0 =	sor.u32 s0, s2;
	v5 =	vadd.s32 $0x4, v6  }
0xf7: {  	s28 =	sor.u32 s3, s0  }
0xf8: {  	v7 =	vld [tilespmem:s28+$0x3B00]  }
0xf9: {  	[tilespmem:s26+$0xB300] =	vst v3;
	v3 =	vld.idx.msk [tilespmem:v0+s1+$0x0], $0xffff  }
0xfa: {  	v8 =	vadd.s32 $0x1, v0;
	[tilespmem:s30+$0xC300] =	vst v2;
	v4 =	vld.idx.msk [tilespmem:v4+s1+$0x0], $0xffff  }
0xfb: {  	v9 =	vadd.s32 $0x3, v1;
	v5 =	vld.idx.msk [tilespmem:v5+s1+$0x0], $0xffff  }
0xfc: {  	v10 =	vadd.s32 $0x5, v6;
	_ =	sdelay $0x1  }
0xfd: {  	v2 =	vmul.u32 $0xD, v7;
	[tilespmem:s25+$0xAB00] =	vst v3  }
0xfe: {  	s11 =	simm.s32 $0x200;
	s10 =	simm.s32 $0x20;
	v3 =	vld.idx.msk [tilespmem:v8+s1+$0x0], $0xffff;
	[tilespmem:s26+$0xBB00] =	vst v4  }
0xff: {  	s21 =	simm.s32 $0x40;
	s2 =	sand.u32 $0x400, s11;
	s0 =	sand.u32 $0x380, s10;
	v4 =	vld.idx.msk [tilespmem:v9+s1+$0x0], $0xffff;
	[tilespmem:s30+$0xCB00] =	vst v5;
	v5 =	vadd.s32 $0x2, v0  }
0x100: {  	s3 =	sand.u32 $0x70, s21;
	s0 =	sor.u32 s0, s2;
	v8 =	vadd.s32 $0x4, v1;
	v7 =	vld.idx.msk [tilespmem:v10+s1+$0x0], $0xffff  }
0x101: {  	s29 =	sor.u32 s3, s0;
	v9 =	vadd.s32 $0x6, v6  }
0x102: {  	v10 =	vld [tilespmem:s29+$0x3B00]  }
0x103: {  	[tilespmem:s25+$0xB300] =	vst v3;
	v3 =	vld.idx.msk [tilespmem:v2+s1+$0x0], $0xffff  }
0x104: {  	[tilespmem:s26+$0xC300] =	vst v4;
	v4 =	vld.idx.msk [tilespmem:v5+s1+$0x0], $0xffff;
	v5 =	vadd.s32 $0x1, v2  }
0x105: {  	[tilespmem:s30+$0xD300] =	vst v7;
	v7 =	vld.idx.msk [tilespmem:v8+s1+$0x0], $0xffff;
	v8 =	vadd.s32 $0x3, v0  }
0x106: {  	v11 =	vadd.s32 $0x5, v1;
	v9 =	vld.idx.msk [tilespmem:v9+s1+$0x0], $0xffff  }
0x107: {  	v12 =	vadd.s32 $0x7, v6  }
0x108: {  	[tilespmem:s28+$0xAB00] =	vst v3;
	v3 =	vmul.u32 $0xD, v10  }
0x109: {  	s22 =	simm.s32 $0x28;
	s3 =	simm.s32 $0x280;
	v5 =	vld.idx.msk [tilespmem:v5+s1+$0x0], $0xffff;
	[tilespmem:s25+$0xBB00] =	vst v4  }
0x10a: {  	s4 =	simm.s32 $0x50;
	s0 =	sand.u32 $0x380, s22;
	s2 =	sand.u32 $0x400, s3;
	v4 =	vld.idx.msk [tilespmem:v8+s1+$0x0], $0xffff;
	[tilespmem:s26+$0xCB00] =	vst v7;
	v7 =	vadd.s32 $0x2, v2  }
0x10b: {  	s3 =	sand.u32 $0x70, s4;
	s0 =	sor.u32 s0, s2;
	v8 =	vld.idx.msk [tilespmem:v11+s1+$0x0], $0xffff;
	[tilespmem:s30+$0xDB00] =	vst v9;
	v9 =	vadd.s32 $0x4, v0  }
0x10c: {  	s31 =	sor.u32 s3, s0;
	v11 =	vadd.s32 $0x6, v1;
	v10 =	vld.idx.msk [tilespmem:v12+s1+$0x0], $0xffff  }
0x10d: {  	v12 =	vld [tilespmem:s31+$0x3B00]  }
0x10e: {  	v13 =	vadd.s32 $0x8, v6;
	[tilespmem:s28+$0xB300] =	vst v5;
	v5 =	vld.idx.msk [tilespmem:v3+s1+$0x0], $0xffff  }
0x10f: {  	[tilespmem:s25+$0xC300] =	vst v4;
	v4 =	vld.idx.msk [tilespmem:v7+s1+$0x0], $0xffff;
	v7 =	vadd.s32 $0x1, v3  }
0x110: {  	[tilespmem:s26+$0xD300] =	vst v8;
	v8 =	vld.idx.msk [tilespmem:v9+s1+$0x0], $0xffff;
	v9 =	vadd.s32 $0x3, v2  }
0x111: {  	[tilespmem:s30+$0xE300] =	vst v10;
	v10 =	vld.idx.msk [tilespmem:v11+s1+$0x0], $0xffff;
	v11 =	vadd.s32 $0x5, v0  }
0x112: {  	v14 =	vadd.s32 $0x7, v1  }
0x113: {  	v13 =	vld.idx.msk [tilespmem:v13+s1+$0x0], $0xffff;
	[tilespmem:s29+$0xAB00] =	vst v5  }
0x114: {  	s5 =	simm.s32 $0x30;
	s10 =	simm.s32 $0x300;
	v5 =	vadd.s32 $0x9, v6;
	v7 =	vld.idx.msk [tilespmem:v7+s1+$0x0], $0xffff;
	[tilespmem:s28+$0xBB00] =	vst v4;
	v4 =	vmul.u32 $0xD, v12  }
0x115: {  	s11 =	simm.s32 $0x60;
	s2 =	sand.u32 $0x400, s10;
	s0 =	sand.u32 $0x380, s5;
	v9 =	vld.idx.msk [tilespmem:v9+s1+$0x0], $0xffff;
	[tilespmem:s25+$0xCB00] =	vst v8  }
0x116: {  	s3 =	sand.u32 $0x70, s11;
	s0 =	sor.u32 s0, s2;
	v8 =	vld.idx.msk [tilespmem:v11+s1+$0x0], $0xffff;
	[tilespmem:s26+$0xDB00] =	vst v10;
	v10 =	vadd.s32 $0x2, v3  }
0x117: {  	s0 =	sor.u32 s3, s0;
	v12 =	vadd.s32 $0x4, v2;
	v11 =	vld.idx.msk [tilespmem:v14+s1+$0x0], $0xffff  }
0x118: {  	[tilespmem:s30+$0xEB00] =	vst v13;
	v13 =	vadd.s32 $0x6, v0;
	v14 =	vld [tilespmem:s0+$0x3B00]  }
0x119: {  	v15 =	vadd.s32 $0x8, v1;
	v5 =	vld.idx.msk [tilespmem:v5+s1+$0x0], $0xffff  }
0x11a: {  	v16 =	vadd.s32 $0xA, v6;
	[tilespmem:s29+$0xB300] =	vst v7;
	v7 =	vld.idx.msk [tilespmem:v4+s1+$0x0], $0xffff  }
0x11b: {  	[tilespmem:s28+$0xC300] =	vst v9;
	v9 =	vld.idx.msk [tilespmem:v10+s1+$0x0], $0xffff;
	v10 =	vadd.s32 $0x1, v4  }
0x11c: {  	[tilespmem:s25+$0xD300] =	vst v8;
	v8 =	vld.idx.msk [tilespmem:v12+s1+$0x0], $0xffff;
	v12 =	vadd.s32 $0x3, v3  }
0x11d: {  	[tilespmem:s26+$0xE300] =	vst v11;
	v11 =	vld.idx.msk [tilespmem:v13+s1+$0x0], $0xffff;
	v13 =	vadd.s32 $0x5, v2  }
0x11e: {  	[tilespmem:s30+$0xF300] =	vst v5;
	v15 =	vld.idx.msk [tilespmem:v15+s1+$0x0], $0xffff  }
0x11f: {  	s21 =	simm.s32 $0x38;
	s22 =	simm.s32 $0x380;
	v17 =	vadd.s32 $0x7, v0;
	v5 =	vmul.u32 $0xD, v14;
	v16 =	vld.idx.msk [tilespmem:v16+s1+$0x0], $0xffff;
	[tilespmem:s31+$0xAB00] =	vst v7  }
0x120: {  	s4 =	simm.s32 $0x70;
	s2 =	sand.u32 $0x380, s21;
	s3 =	sand.u32 $0x400, s22;
	v10 =	vld.idx.msk [tilespmem:v10+s1+$0x0], $0xffff;
	[tilespmem:s29+$0xBB00] =	vst v9  }
0x121: {  	s4 =	sand.u32 $0x70, s4;
	s2 =	sor.u32 s2, s3;
	v7 =	vadd.s32 $0x9, v1;
	[tilespmem:s28+$0xCB00] =	vst v8;
	v14 =	vld.idx.msk [tilespmem:v12+s1+$0x0], $0xffff  }
0x122: {  	s2 =	sor.u32 s4, s2;
	v9 =	vadd.s32 $0xB, v6;
	v8 =	vld.idx.msk [tilespmem:v13+s1+$0x0], $0xffff  }
0x123: {  	[tilespmem:s25+$0xDB00] =	vst v11;
	v11 =	vadd.s32 $0x2, v4;
	v12 =	vld [tilespmem:s2+$0x3B00]  }
0x124: {  	v13 =	vld.idx.msk [tilespmem:v17+s1+$0x0], $0xffff;
	[tilespmem:s26+$0xEB00] =	vst v15;
	v15 =	vadd.s32 $0x4, v3  }
0x125: {  	[tilespmem:s30+$0xFB00] =	vst v16;
	v16 =	vadd.s32 $0x8, v0;
	v24 =	vld.idx.msk [tilespmem:v5+s1+$0x0], $0xffff  }
0x126: {  	v17 =	vld.idx.msk [tilespmem:v7+s1+$0x0], $0xffff;
	v7 =	vadd.s32 $0x6, v2  }
0x127: {  	v21 =	vadd.s32 $0xA, v1;
	v18 =	vld.idx.msk [tilespmem:v9+s1+$0x0], $0xffff;
	[tilespmem:s31+$0xB300] =	vst v10  }
0x128: {  	v25 =	vadd.s32 $0xC, v6;
	[tilespmem:s29+$0xC300] =	vst v14;
	v20 =	vld.idx.msk [tilespmem:v11+s1+$0x0], $0xffff  }
0x129: {  	v19 =	vld.idx.msk [tilespmem:v15+s1+$0x0], $0xffff;
	[tilespmem:s25+$0xE300] =	vst v13  }
0x12a: {  	v22 =	vadd.s32 $0x3, v4;
	v23 =	vadd.s32 $0x1, v5;
	[tilespmem:s28+$0xD300] =	vst v8;
	v16 =	vld.idx.msk [tilespmem:v16+s1+$0x0], $0xffff  }
0x12b: {  	v6 =	vadd.s32 $0xB, v5;
	v9 =	vadd.s32 $0xB, v2;
	v10 =	vadd.s32 $0xB, v4;
	v15 =	vld.idx.msk [tilespmem:v7+s1+$0x0], $0xffff;
	[tilespmem:s26+$0xF300] =	vst v17  }
0x12c: {  	v11 =	vadd.s32 $0xB, v1;
	v8 =	vadd.s32 $0xB, v0;
	v13 =	vld.idx.msk [tilespmem:v21+s1+$0x0], $0xffff;
	[tilespmem:s30+$0x10300] =	vst v18;
	v21 =	vadd.s32 $0x5, v3  }
0x12d: {  	s5 =	simm.s32 $0x40;
	s3 =	simm.s32 $0x80;
	s4 =	simm.s32 $0x400;
	v14 =	vadd.s32 $0x7, v2;
	[tilespmem:s0+$0xAB00] =	vst v24;
	v7 =	vadd.s32 $0xB, v3;
	v18 =	vadd.s32 $0x9, v0;
	v17 =	vld.idx.msk [tilespmem:v25+s1+$0x0], $0xffff  }
.LBB2_9:
0x12e: {  	s10 =	smov.u32 s5  }
0x12f: {  	s11 =	sand.u32 $0x400, s4;
	s21 =	sand.u32 $0x380, s5;
	v23 =	vld.idx.msk [tilespmem:v23+s1+$0x0], $0xffff;
	[tilespmem:s31+$0xBB00] =	vst v20;
	s10 =	sadd.s32 $0x8, s5  }
0x130: {  	s22 =	sand.u32 $0x70, s3;
	p0 =	sne.s32 s5, $0x3F8;
	v24 =	vmul.u32 $0xD, v12;
	s11 =	sor.u32 s21, s11;
	v20 =	vld.idx.msk [tilespmem:v22+s1+$0x0], $0xffff;
	[tilespmem:s29+$0xCB00] =	vst v19  }
0x131: {  	s5 =	sor.u32 s22, s11;
	v19 =	vld.idx.msk [tilespmem:v21+s1+$0x0], $0xffff;
	[tilespmem:s28+$0xDB00] =	vst v15  }
0x132: {  	v15 =	vadd.s32 $0xB, v24;
	v21 =	vadd.s32 $0x2, v5;
	v14 =	vld.idx.msk [tilespmem:v14+s1+$0x0], $0xffff;
	[tilespmem:s25+$0xEB00] =	vst v16  }
0x133: {  	v16 =	vadd.s32 $0x4, v4;
	v18 =	vld.idx.msk [tilespmem:v18+s1+$0x0], $0xffff;
	[tilespmem:s26+$0xFB00] =	vst v13  }
0x134: {  	v13 =	vadd.s32 $0x6, v3;
	v12 =	vld [tilespmem:s5+$0x3B00];
	[tilespmem:s30+$0x10B00] =	vst v17;
	s30 =	smov.u32 s26;
	s26 =	smov.u32 s25;
	s25 =	smov.u32 s28  }
0x135: {  	v17 =	vadd.s32 $0x8, v2;
	s28 =	smov.u32 s29;
	s29 =	smov.u32 s31;
	s31 =	smov.u32 s0;
	[tilespmem:s0+$0xB300] =	vst v23;
	v25 =	vld.idx.msk [tilespmem:v11+s1+$0x0], $0xffff;
	v11 =	vmovc v8;
	v8 =	vmovc v9;
	v9 =	vmov v7;
	v7 =	vmov v10  }
0x136: {  	v27 =	vadd.s32 $0xA, v0;
	v28 =	vadd.s32 $0xC, v1;
	v1 =	vmovc v0;
	v0 =	vmovc v2;
	v2 =	vmov v3;
	s0 =	smov.u32 s2;
	s2 =	smov.u32 s5;
	v26 =	vld.idx.msk [tilespmem:v24+s1+$0x0], $0xffff;
	[tilespmem:s29+$0xC300] =	vst v20  }
0x137: {  	v3 =	vmovc v4;
	v4 =	vmovc v5;
	v5 =	vmov v24;
	v10 =	vmov v6;
	v6 =	vmov v15;
	v20 =	vld.idx.msk [tilespmem:v21+s1+$0x0], $0xffff;
	[tilespmem:s28+$0xD300] =	vst v19  }
.Ltmp6:
0x138: {  	v23 =	vadd.s32 $0x1, v5;
	v19 =	vld.idx.msk [tilespmem:v16+s1+$0x0], $0xffff;
	[tilespmem:s25+$0xE300] =	vst v14;
	(pc) =	sbr.rel @p0 .LBB2_9-.Ltmp6, $4  }
0x139: {  	v22 =	vadd.s32 $0x3, v4;
	v15 =	vld.idx.msk [tilespmem:v13+s1+$0x0], $0xffff;
	[tilespmem:s26+$0xF300] =	vst v18  }
0x13a: {  	v21 =	vadd.s32 $0x5, v3;
	v16 =	vld.idx.msk [tilespmem:v17+s1+$0x0], $0xffff  }
0x13b: {  	v14 =	vadd.s32 $0x7, v2;
	v13 =	vld.idx.msk [tilespmem:v27+s1+$0x0], $0xffff;
	[tilespmem:s30+$0x10300] =	vst v25  }
0x13c: {  	s3 =	sadd.s32 $0x10, s3;
	s4 =	sadd.s32 $0x80, s4;
	s5 =	smov.u32 s10;
	v18 =	vadd.s32 $0x9, v0;
	[tilespmem:s0+$0xAB00] =	vst v26;
	v17 =	vld.idx.msk [tilespmem:v28+s1+$0x0], $0xffff  }
0x13d: {  	v12 =	vmul.u32 $0xD, v12;
	_ =	sdelay $0x5  }
0x13e: {  	v24 =	vld.idx.msk [tilespmem:v12+s1+$0x0], $0xffff  }
0x13f: {  	v25 =	vadd.s32 $0x1, v12;
	_ =	sdelay $0x3  }
0x140: {  	v23 =	vld.idx.msk [tilespmem:v23+s1+$0x0], $0xffff;
	[tilespmem:s2+$0xAB00] =	vst v24  }
0x141: {  	v53 =	vadd.s32 $0x2, v5;
	v25 =	vld.idx.msk [tilespmem:v25+s1+$0x0], $0xffff  }
0x142: {  	v26 =	vadd.s32 $0x2, v12;
	_ =	sdelay $0x2  }
0x143: {  	[tilespmem:s0+$0xB300] =	vst v23  }
0x144: {  	v23 =	vld.idx.msk [tilespmem:v53+s1+$0x0], $0xffff;
	[tilespmem:s2+$0xB300] =	vst v25  }
0x145: {  	v54 =	vadd.s32 $0x3, v5;
	v25 =	vld.idx.msk [tilespmem:v26+s1+$0x0], $0xffff  }
0x146: {  	v55 =	vadd.s32 $0x3, v12;
	_ =	sdelay $0x1  }
0x147: {  	[tilespmem:s31+$0xBB00] =	vst v20  }
0x148: {  	v20 =	vld.idx.msk [tilespmem:v22+s1+$0x0], $0xffff;
	[tilespmem:s0+$0xBB00] =	vst v23  }
0x149: {  	v56 =	vadd.s32 $0x4, v4;
	v23 =	vld.idx.msk [tilespmem:v54+s1+$0x0], $0xffff;
	[tilespmem:s2+$0xBB00] =	vst v25  }
0x14a: {  	v57 =	vadd.s32 $0x4, v5;
	v25 =	vld.idx.msk [tilespmem:v55+s1+$0x0], $0xffff  }
0x14b: {  	v58 =	vadd.s32 $0x4, v12;
	_ =	sdelay $0x1  }
0x14c: {  	[tilespmem:s31+$0xC300] =	vst v20  }
0x14d: {  	v20 =	vld.idx.msk [tilespmem:v56+s1+$0x0], $0xffff;
	[tilespmem:s0+$0xC300] =	vst v23  }
0x14e: {  	v59 =	vadd.s32 $0x5, v4;
	v23 =	vld.idx.msk [tilespmem:v57+s1+$0x0], $0xffff;
	[tilespmem:s2+$0xC300] =	vst v25  }
0x14f: {  	v60 =	vadd.s32 $0x5, v5;
	v25 =	vld.idx.msk [tilespmem:v58+s1+$0x0], $0xffff  }
0x150: {  	v61 =	vadd.s32 $0x5, v12  }
0x151: {  	[tilespmem:s29+$0xCB00] =	vst v19  }
0x152: {  	v19 =	vld.idx.msk [tilespmem:v21+s1+$0x0], $0xffff;
	[tilespmem:s31+$0xCB00] =	vst v20  }
0x153: {  	v62 =	vadd.s32 $0x6, v3;
	v63 =	vld.idx.msk [tilespmem:v59+s1+$0x0], $0xffff;
	[tilespmem:s0+$0xCB00] =	vst v23  }
0x154: {  	v28 =	vadd.s32 $0x6, v4;
	v23 =	vld.idx.msk [tilespmem:v60+s1+$0x0], $0xffff;
	[tilespmem:s2+$0xCB00] =	vst v25  }
0x155: {  	v29 =	vadd.s32 $0x6, v5;
	[tilespmem:s28+$0xDB00] =	vst v15;
	v30 =	vld.idx.msk [tilespmem:v61+s1+$0x0], $0xffff  }
0x156: {  	[tilespmem:s25+$0xEB00] =	vst v16;
	v31 =	vadd.s32 $0x6, v12  }
0x157: {  	[tilespmem:s29+$0xD300] =	vst v19  }
0x158: {  	v19 =	vld.idx.msk [tilespmem:v62+s1+$0x0], $0xffff;
	[tilespmem:s31+$0xD300] =	vst v63  }
0x159: {  	v32 =	vadd.s32 $0x7, v3;
	v21 =	vld.idx.msk [tilespmem:v28+s1+$0x0], $0xffff;
	[tilespmem:s0+$0xD300] =	vst v23  }
0x15a: {  	v33 =	vadd.s32 $0x7, v4;
	v15 =	vld.idx.msk [tilespmem:v29+s1+$0x0], $0xffff;
	[tilespmem:s2+$0xD300] =	vst v30  }
0x15b: {  	v34 =	vadd.s32 $0x7, v5;
	[tilespmem:s26+$0xFB00] =	vst v13;
	v16 =	vld.idx.msk [tilespmem:v31+s1+$0x0], $0xffff  }
0x15c: {  	v14 =	vld.idx.msk [tilespmem:v14+s1+$0x0], $0xffff;
	v35 =	vadd.s32 $0x7, v12;
	[tilespmem:s30+$0x10B00] =	vst v17  }
0x15d: {  	v18 =	vld.idx.msk [tilespmem:v18+s1+$0x0], $0xffff;
	[tilespmem:s29+$0xDB00] =	vst v19  }
0x15e: {  	v36 =	vadd.s32 $0x8, v2;
	v20 =	vld.idx.msk [tilespmem:v32+s1+$0x0], $0xffff;
	[tilespmem:s31+$0xDB00] =	vst v21  }
0x15f: {  	v37 =	vadd.s32 $0x8, v3;
	v22 =	vld.idx.msk [tilespmem:v33+s1+$0x0], $0xffff;
	[tilespmem:s0+$0xDB00] =	vst v15  }
0x160: {  	v38 =	vadd.s32 $0x8, v4;
	v13 =	vld.idx.msk [tilespmem:v34+s1+$0x0], $0xffff;
	[tilespmem:s2+$0xDB00] =	vst v16  }
0x161: {  	v39 =	vadd.s32 $0x8, v5;
	[tilespmem:s28+$0xE300] =	vst v14;
	v16 =	vld.idx.msk [tilespmem:v35+s1+$0x0], $0xffff  }
0x162: {  	v40 =	vadd.s32 $0x8, v12;
	v11 =	vld.idx.msk [tilespmem:v11+s1+$0x0], $0xffff;
	[tilespmem:s25+$0xF300] =	vst v18  }
0x163: {  	v41 =	vadd.s32 $0xA, v0;
	v19 =	vld.idx.msk [tilespmem:v36+s1+$0x0], $0xffff;
	[tilespmem:s29+$0xE300] =	vst v20  }
0x164: {  	v42 =	vadd.s32 $0x9, v2;
	v21 =	vld.idx.msk [tilespmem:v37+s1+$0x0], $0xffff;
	[tilespmem:s31+$0xE300] =	vst v22  }
0x165: {  	v43 =	vadd.s32 $0x9, v3;
	v15 =	vld.idx.msk [tilespmem:v38+s1+$0x0], $0xffff;
	[tilespmem:s0+$0xE300] =	vst v13  }
0x166: {  	v44 =	vadd.s32 $0x9, v4;
	v14 =	vld.idx.msk [tilespmem:v39+s1+$0x0], $0xffff;
	[tilespmem:s2+$0xE300] =	vst v16  }
0x167: {  	v45 =	vadd.s32 $0x9, v5;
	[tilespmem:s26+$0x10300] =	vst v11;
	v16 =	vld.idx.msk [tilespmem:v40+s1+$0x0], $0xffff  }
0x168: {  	v47 =	vadd.s32 $0x9, v12;
	v46 =	vld.idx.msk [tilespmem:v41+s1+$0x0], $0xffff;
	[tilespmem:s28+$0xEB00] =	vst v19  }
0x169: {  	v1 =	vadd.s32 $0xC, v1;
	v19 =	vld.idx.msk [tilespmem:v42+s1+$0x0], $0xffff;
	[tilespmem:s29+$0xEB00] =	vst v21  }
0x16a: {  	v48 =	vadd.s32 $0xA, v2;
	v21 =	vld.idx.msk [tilespmem:v43+s1+$0x0], $0xffff;
	[tilespmem:s31+$0xEB00] =	vst v15  }
0x16b: {  	v49 =	vadd.s32 $0xA, v3;
	v13 =	vld.idx.msk [tilespmem:v44+s1+$0x0], $0xffff;
	[tilespmem:s0+$0xEB00] =	vst v14  }
0x16c: {  	v50 =	vadd.s32 $0xA, v4;
	v11 =	vld.idx.msk [tilespmem:v45+s1+$0x0], $0xffff;
	[tilespmem:s2+$0xEB00] =	vst v16  }
0x16d: {  	v51 =	vadd.s32 $0xA, v5;
	[tilespmem:s25+$0xFB00] =	vst v46;
	v52 =	vld.idx.msk [tilespmem:v47+s1+$0x0], $0xffff  }
0x16e: {  	v53 =	vadd.s32 $0xA, v12;
	v1 =	vld.idx.msk [tilespmem:v1+s1+$0x0], $0xffff;
	[tilespmem:s28+$0xF300] =	vst v19  }
0x16f: {  	v19 =	vld.idx.msk [tilespmem:v48+s1+$0x0], $0xffff;
	[tilespmem:s29+$0xF300] =	vst v21  }
0x170: {  	v15 =	vld.idx.msk [tilespmem:v49+s1+$0x0], $0xffff;
	[tilespmem:s31+$0xF300] =	vst v13  }
0x171: {  	v13 =	vld.idx.msk [tilespmem:v50+s1+$0x0], $0xffff;
	[tilespmem:s0+$0xF300] =	vst v11  }
0x172: {  	v11 =	vld.idx.msk [tilespmem:v51+s1+$0x0], $0xffff;
	[tilespmem:s2+$0xF300] =	vst v52  }
0x173: {  	[tilespmem:s26+$0x10B00] =	vst v1;
	v54 =	vld.idx.msk [tilespmem:v53+s1+$0x0], $0xffff  }
0x174: {  	v8 =	vld.idx.msk [tilespmem:v8+s1+$0x0], $0xffff;
	v55 =	vadd.s32 $0xB, v12;
	[tilespmem:s28+$0xFB00] =	vst v19  }
0x175: {  	v56 =	vadd.s32 $0xC, v0;
	v9 =	vld.idx.msk [tilespmem:v9+s1+$0x0], $0xffff;
	[tilespmem:s29+$0xFB00] =	vst v15  }
0x176: {  	v57 =	vadd.s32 $0xC, v2;
	v7 =	vld.idx.msk [tilespmem:v7+s1+$0x0], $0xffff;
	[tilespmem:s31+$0xFB00] =	vst v13  }
0x177: {  	v58 =	vadd.s32 $0xC, v3;
	v10 =	vld.idx.msk [tilespmem:v10+s1+$0x0], $0xffff;
	[tilespmem:s0+$0xFB00] =	vst v11  }
0x178: {  	v59 =	vadd.s32 $0xC, v4;
	v6 =	vld.idx.msk [tilespmem:v6+s1+$0x0], $0xffff;
	[tilespmem:s2+$0xFB00] =	vst v54  }
0x179: {  	[tilespmem:s25+$0x10300] =	vst v8;
	v60 =	vadd.s32 $0xC, v5;
	v61 =	vld.idx.msk [tilespmem:v55+s1+$0x0], $0xffff  }
0x17a: {  	v62 =	vadd.s32 $0xC, v12;
	v0 =	vld.idx.msk [tilespmem:v56+s1+$0x0], $0xffff;
	[tilespmem:s28+$0x10300] =	vst v9  }
0x17b: {  	v2 =	vld.idx.msk [tilespmem:v57+s1+$0x0], $0xffff;
	[tilespmem:s29+$0x10300] =	vst v7  }
0x17c: {  	v3 =	vld.idx.msk [tilespmem:v58+s1+$0x0], $0xffff;
	[tilespmem:s31+$0x10300] =	vst v10  }
0x17d: {  	v4 =	vld.idx.msk [tilespmem:v59+s1+$0x0], $0xffff;
	[tilespmem:s0+$0x10300] =	vst v6  }
0x17e: {  	v1 =	vld.idx.msk [tilespmem:v60+s1+$0x0], $0xffff;
	[tilespmem:s2+$0x10300] =	vst v61  }
0x17f: {  	[tilespmem:s25+$0x10B00] =	vst v0;
	v63 =	vld.idx.msk [tilespmem:v62+s1+$0x0], $0xffff  }
0x180: {  	p0 =	seq.s32 s23, $0x18;
	[tilespmem:s28+$0x10B00] =	vst v2  }
.Ltmp7:
0x181: {  	[tilespmem:s29+$0x10B00] =	vst v3;
	(pc) =	sbr.rel @p0 .LBB2_12-.Ltmp7, $4  }
0x182: {  	[tilespmem:s31+$0x10B00] =	vst v4  }
0x183: {  	[tilespmem:s0+$0x10B00] =	vst v1  }
0x184: {  	s31 =	sadd.s32 s24, s8;
	[tilespmem:s2+$0x10B00] =	vst v63  }
0x185: {  	[hbm4b:s31+s15] =	stream.strided.scatter [tilespmem:s20], [sflag:$0x4], $0x6800, s16, s15, $0x38;
	[tilespmem:$0x11300] =	vst v63  }
.Ltmp8:
0x186: {  	(pc) =	sbr.rel .LBB2_2-.Ltmp8, $3  }
0x187: {  	_ =	sdelay $0x1  }
0x188: {  	s0 =	sadd.s32 s24, s9;
	s23 =	sadd.s32 $0x1, s23  }
0x189: {  	[tilespmem:s13], [sflag:$0x2] =	stream.linear.gather [hbm4b:s0+s1], $0x800, $0x38;
	[tilespmem:$0x11300] =	vst v63  }
.LBB2_13:
0x18a: {  	_ =	sfence.sel $0x180000  }
0x18b: {  	[bflag:$0x0] =	sbarrier.arrive $0xFFFF  }
0x18c: {  	_ =	strace $0x90000047  }
0x18d: {  	s0 =	stileid.u32;
	[bflag:$0x2] =	sbarrier.arrive $0xFFFF  }
0x18e: {  	p0 =	sne.s32 s0, $0x0;
	s0 =	rddreg [dreg:$0x3]  }
0x18f: {  	s0 =	sadd.s32 @!p0 $0x100000, s0  }
0x190: {  	[sflag:s0] =	ssyncadd.tile.s32 @!p0 $0x1;
	_ =	shalt  }
.Lfunc_end2:
_tile_overlayer_lowered:
.L_overlay_start_2:
0x191: {  	(tag) =	ssettag $0x2  }
0x192: {  	s0 =	rddreg [dreg:$0x0];
	s2 =	stileid.u32  }
0x193: {  	s1 =	rddreg [dreg:$0x1];
	p0 =	sne.s32 s2, $0x0  }
0x194: {  	s3 =	rddreg [dreg:$0x2];
	[bflag:$0x3] =	sbarrier.arrive $0xFFFF;
	s2 =	simm.s32 @!p0 $0x1C05  }
0x195: {  	[timem:s3], [sflag:s2] =	dma.local @!p0 [hbm:s0], s1  }
0x196: {  	s0 =	simm.s32 @!p0 $0x5  }
0x197: {  	_ =	swait.ge @!p0 [sflag:s0], s1  }
0x198: {  	s1 =	ssub.s32 @!p0 $0x0, s1;
	[sflag:s0] =	ssyncset.done @!p0 $0x0  }
0x199: {  	[sflag:s0] =	ssyncadd.s32 @!p0 s1  }
0x19a: {  	[bflag:$0x3] =	sbarrier.arrive $0xFFFF  }
0x19b: {  	_ =	shalt  }

</sc_bundles>
